<compile_context>
chip_gen: v7x
topology: tpu7x:2x2x1
jax: 0.10.2.dev20260603
libtpu: 0.0.44.dev20260713+nightly
codegen_flags: <defaults>
</compile_context>

<pallas_src>
import dataclasses
import functools

import jax
import jax.numpy as jnp
from jax.experimental import pallas as pl
from jax.experimental.pallas import tpu as pltpu
from jax.experimental.pallas import tpu_sc as plsc

B = 8
C = 64
N = 100000
R = 32
V = R * R * R

P = 1024
NCHUNK = 98
NPAD = NCHUNK * P
TAIL = N - 97 * P
LANES = 16


def _compute_norm_and_idx(coords):
    mean = jnp.mean(coords, axis=2, keepdims=True)
    cc = coords - mean
    maxn = jnp.max(
        jnp.linalg.norm(cc, axis=1, keepdims=True), axis=2, keepdims=True
    )
    nc = cc / (2.0 * maxn) + 0.5
    ncr = jnp.clip(nc * float(R), 0.0, float(R - 1))
    vox = jnp.round(ncr).astype(jnp.int32)
    flat = (vox[:, 0] * R + vox[:, 1]) * R + vox[:, 2]
    padded = jnp.pad(flat, ((0, 0), (0, NPAD - N)))
    return ncr, padded.reshape(B, NPAD // 128, 128)


def _sc_scatter_kernel(
    feat_hbm, tail_hbm, idx_hbm, out_hbm, acc, idxv, fb, idxv2, fb2, sem0, sem1
):
    wid = jax.lax.axis_index("s") * 2 + jax.lax.axis_index("c")
    row = 8 * (wid // 4)
    s0 = (2 * wid) % 8
    s1 = s0 + 1
    c0 = row + s0
    c1 = c0 + 1
    ones = jnp.full((LANES,), 1.0, dtype=jnp.float32)

    def start_chunk(b, k, npts, ib, fbuf, sem):
        pltpu.async_copy(idx_hbm.at[b, pl.ds(k * 8, 8), :], ib, sem)
        pltpu.async_copy(
            feat_hbm.at[b, pl.ds(row, 8), pl.ds(k * P, npts)],
            fbuf.at[:, pl.ds(0, npts)], sem,
        )

    def wait_chunk(npts, ib, fbuf, sem):
        pltpu.make_async_copy(idx_hbm.at[0, pl.ds(0, 8), :], ib, sem).wait()
        pltpu.make_async_copy(
            feat_hbm.at[0, pl.ds(0, 8), pl.ds(0, npts)],
            fbuf.at[:, pl.ds(0, npts)], sem,
        ).wait()

    def process(npts, ib, fbuf):
        @plsc.parallel_loop(0, npts, step=LANES, unroll=4)
        def _group(j):
            iv = ib.at[j // 128, pl.ds(j % 128, LANES)][...]
            x0 = fbuf.at[s0, pl.ds(j, LANES)][...]
            x1 = fbuf.at[s1, pl.ds(j, LANES)][...]
            plsc.addupdate_scatter(acc, [iv], x0)
            plsc.addupdate_scatter(acc, [iv + V], x1)
            plsc.addupdate_scatter(acc, [iv + 2 * V], ones)

    @pl.loop(0, B)
    def _batch(b):
        start_chunk(b, 0, P, idxv, fb, sem0)

        @plsc.parallel_loop(0, 3 * V, step=LANES, unroll=8)
        def _zero(i):
            acc.at[pl.ds(i, LANES)][...] = jnp.zeros((LANES,), jnp.float32)

        @pl.loop(0, 96, step=2)
        def _pair(k):
            start_chunk(b, k + 1, P, idxv2, fb2, sem1)
            wait_chunk(P, idxv, fb, sem0)
            process(P, idxv, fb)
            start_chunk(b, k + 2, P, idxv, fb, sem0)
            wait_chunk(P, idxv2, fb2, sem1)
            process(P, idxv2, fb2)

        pltpu.async_copy(idx_hbm.at[b, pl.ds(97 * 8, 8), :], idxv2, sem1)
        pltpu.async_copy(
            tail_hbm.at[b, pl.ds(row, 8), :], fb2.at[:, pl.ds(0, 768)], sem1
        )
        wait_chunk(P, idxv, fb, sem0)
        process(P, idxv, fb)
        pltpu.make_async_copy(idx_hbm.at[0, pl.ds(0, 8), :], idxv2, sem1).wait()
        pltpu.make_async_copy(
            tail_hbm.at[0, pl.ds(0, 8), :], fb2.at[:, pl.ds(0, 768)], sem1
        ).wait()
        process(TAIL, idxv2, fb2)

        @plsc.parallel_loop(0, V, step=LANES, unroll=4)
        def _div(j):
            cnt = jnp.maximum(acc.at[pl.ds(2 * V + j, LANES)][...], 1.0)
            acc.at[pl.ds(j, LANES)][...] = acc.at[pl.ds(j, LANES)][...] / cnt
            acc.at[pl.ds(V + j, LANES)][...] = (
                acc.at[pl.ds(V + j, LANES)][...] / cnt
            )

        pltpu.sync_copy(
            acc.at[pl.ds(0, V)], out_hbm.at[pl.ds((b * C + c0) * V, V)]
        )
        pltpu.sync_copy(
            acc.at[pl.ds(V, V)], out_hbm.at[pl.ds((b * C + c1) * V, V)]
        )


def _sc_scatter(features, idx):
    mesh = plsc.VectorSubcoreMesh(core_axis_name="c", subcore_axis_name="s")
    cp = pltpu.CompilerParams()
    if "needs_layout_passes" in pltpu.CompilerParams.__dataclass_fields__:
        cp = dataclasses.replace(cp, needs_layout_passes=False)
    fn = functools.partial(
        pl.kernel,
        compiler_params=cp,
        out_type=jax.ShapeDtypeStruct((B * C * V,), jnp.float32),
        mesh=mesh,
        scratch_types=[
            pltpu.VMEM((3 * V,), jnp.float32),
            pltpu.VMEM((8, 128), jnp.int32),
            pltpu.VMEM((8, P), jnp.float32),
            pltpu.VMEM((8, 128), jnp.int32),
            pltpu.VMEM((8, P), jnp.float32),
            pltpu.SemaphoreType.DMA,
            pltpu.SemaphoreType.DMA,
        ],
    )(_sc_scatter_kernel)
    tail = jnp.pad(features[:, :, 97 * P:], ((0, 0), (0, 0), (0, 96)))
    return fn(features, tail, idx)


def kernel(features, coords):
    norm_coords, idx = _compute_norm_and_idx(coords)
    sums = _sc_scatter(features, idx)
    return sums.reshape(B, C, R, R, R), norm_coords

# --- scband reference (transcript-rebuilt; emitter-appended) ---
"""Pipeline reference for scband-voxelization-53781580481201 (READ-ONLY COPY).

The authoritative reference and input builder live on the scoring server;
editing this copy changes nothing except your own understanding.
"""

import jax, jax.numpy as jnp
import numpy as np

RESOLUTION = 32
NORMALIZE = True
EPS = 0.0


def setup_inputs(seed: int = 0) -> dict:
    key = jax.random.key(seed)
    k1, k2 = jax.random.split(key)
    features = jax.random.normal(k1, (8, 64, 100000), dtype=jnp.float32)
    coords = jax.random.normal(k2, (8, 3, 100000), dtype=jnp.float32)
    return {"features": features, "coords": coords}


def _avg_voxelize(features, vox_coords, R):
    # features: [B, C, N] float; vox_coords: [B, 3, N] int32 in [0, R-1]
    B, C, N = features.shape
    idx = (vox_coords[:, 0] * R + vox_coords[:, 1]) * R + vox_coords[:, 2]  # [B, N]
    flat_idx = (idx + jnp.arange(B, dtype=idx.dtype)[:, None] * (R ** 3)).reshape(-1)  # [B*N]
    feats = jnp.transpose(features, (0, 2, 1)).reshape(B * N, C)
    sums = jax.ops.segment_sum(feats, flat_idx, num_segments=B * R ** 3)  # [B*R^3, C]
    counts = jax.ops.segment_sum(jnp.ones((B * N,), dtype=features.dtype), flat_idx, num_segments=B * R ** 3)
    avg = sums / jnp.maximum(counts, 1.0)[:, None]
    out = jnp.transpose(avg.reshape(B, R ** 3, C), (0, 2, 1))  # [B, C, R^3]
    return out, flat_idx, counts


def reference(features, coords):
    B, C, N = features.shape
    R = RESOLUTION
    norm_coords = coords - jnp.mean(coords, axis=2, keepdims=True)
    if NORMALIZE:
        coords_reduced = jnp.max(jnp.linalg.norm(norm_coords, axis=1, keepdims=True), axis=2, keepdims=True)
        norm_coords = norm_coords / (coords_reduced * 2.0 + EPS) + 0.5
    else:
        norm_coords = (norm_coords + 1.0) / 2.0
    norm_coords = jnp.clip(norm_coords * R, 0.0, R - 1)
    vox_coords = jnp.round(norm_coords).astype(jnp.int32)
    vox_features_sqzd, _, _ = _avg_voxelize(features, vox_coords, R)
    voxelized_features = vox_features_sqzd.reshape(B, C, R, R, R)
    return voxelized_features, norm_coords

if __name__ == "__main__":
    import jax
    _d = setup_inputs()
    print(jax.jit(kernel)(*tuple(_d.values())))

</pallas_src>

<mosaic_0001>
#map = affine_map<(d0, d1) -> (0, 0, 0)>
#map1 = affine_map<(d0, d1) -> (0)>
module attributes {stable_mosaic.version = 14 : i64} {
  func.func @_sc_scatter_kernel(%arg0: i32, %arg1: i32, %arg2: memref<8x64x100000xf32, #tpu.memory_space<hbm>>, %arg3: memref<8x64x768xf32, #tpu.memory_space<hbm>>, %arg4: memref<8x784x128xi32, #tpu.memory_space<hbm>>, %arg5: memref<16777216xf32, #tpu.memory_space<hbm>>, %arg6: memref<98304xf32, #tpu.memory_space<vmem>>, %arg7: memref<8x128xi32, #tpu.memory_space<vmem>>, %arg8: memref<8x1024xf32, #tpu.memory_space<vmem>>, %arg9: memref<8x128xi32, #tpu.memory_space<vmem>>, %arg10: memref<8x1024xf32, #tpu.memory_space<vmem>>, %arg11: memref<!tpu.dma_semaphore, #tpu.memory_space<semaphore_mem>>, %arg12: memref<!tpu.dma_semaphore, #tpu.memory_space<semaphore_mem>>) attributes {dimension_semantics = [#tpu.dimension_semantics<core_parallel>, #tpu.dimension_semantics<subcore_parallel>], iteration_bounds = array<i64: 2, 16>, scalar_prefetch = 0 : i64, scratch_operands = 7 : i64, tpu.core_type = #tpu.core_type<sc_vector_subcore>, window_params = [{transform_indices = #map}, {transform_indices = #map}, {transform_indices = #map}, {transform_indices = #map1}]} {
    %mul3A = arith.constant 2 : i32
    %mul3A_0 = arith.muli %arg1, %mul3A : i32
    %add3A = arith.addi %mul3A_0, %arg0 : i32
    %jit3A = arith.constant 4 : i32
    %div3A = arith.divsi %add3A, %jit3A : i32
    %sign3A = arith.constant 0 : i32
    %sign3A_1 = arith.cmpi sgt, %add3A, %sign3A : i32
    %sign3A_2 = arith.extui %sign3A_1 : i1 to i32
    %sign3A_3 = arith.constant 0 : i32
    %sign3A_4 = arith.cmpi slt, %add3A, %sign3A_3 : i32
    %sign3A_5 = arith.extui %sign3A_4 : i1 to i32
    %sign3A_6 = arith.subi %sign3A_2, %sign3A_5 : i32
    %sign3A_7 = arith.constant 0 : i32
    %sign3A_8 = arith.cmpi sgt, %jit3A, %sign3A_7 : i32
    %sign3A_9 = arith.extui %sign3A_8 : i1 to i32
    %sign3A_10 = arith.constant 0 : i32
    %sign3A_11 = arith.cmpi slt, %jit3A, %sign3A_10 : i32
    %sign3A_12 = arith.extui %sign3A_11 : i1 to i32
    %sign3A_13 = arith.subi %sign3A_9, %sign3A_12 : i32
    %ne3A = arith.cmpi ne, %sign3A_6, %sign3A_13 : i32
    %rem3A = arith.remsi %add3A, %jit3A : i32
    %ne3A_14 = arith.constant 0 : i32
    %ne3A_15 = arith.cmpi ne, %rem3A, %ne3A_14 : i32
    %and3A = arith.andi %ne3A, %ne3A_15 : i1
    %sub3A = arith.constant 1 : i32
    %sub3A_16 = arith.subi %div3A, %sub3A : i32
    %select_n3A = arith.select %and3A, %sub3A_16, %div3A : i32
    %mul3A_17 = arith.constant 8 : i32
    %mul3A_18 = arith.muli %mul3A_17, %select_n3A : i32
    %mul3A_19 = arith.constant 2 : i32
    %mul3A_20 = arith.muli %mul3A_19, %add3A : i32
    %jit3A_21 = arith.constant 8 : i32
    %eq3A = arith.constant 0 : i32
    %eq3A_22 = arith.cmpi eq, %jit3A_21, %eq3A : i32
    %jit3A_23 = arith.constant 1 : i32
    %select_n3A_24 = arith.select %eq3A_22, %jit3A_23, %jit3A_21 : i32
    %rem3A_25 = arith.remsi %mul3A_20, %select_n3A_24 : i32
    %ne3A_26 = arith.constant 0 : i32
    %ne3A_27 = arith.cmpi ne, %rem3A_25, %ne3A_26 : i32
    %lt3A = arith.constant 0 : i32
    %lt3A_28 = arith.cmpi slt, %rem3A_25, %lt3A : i32
    %lt3A_29 = arith.constant 0 : i32
    %lt3A_30 = arith.cmpi slt, %select_n3A_24, %lt3A_29 : i32
    %ne3A_31 = arith.xori %lt3A_28, %lt3A_30 : i1
    %and3A_32 = arith.andi %ne3A_31, %ne3A_27 : i1
    %add3A_33 = arith.addi %rem3A_25, %select_n3A_24 : i32
    %select_n3A_34 = arith.select %and3A_32, %add3A_33, %rem3A_25 : i32
    %add3A_35 = arith.constant 1 : i32
    %add3A_36 = arith.addi %select_n3A_34, %add3A_35 : i32
    %add3A_37 = arith.addi %mul3A_18, %select_n3A_34 : i32
    %add3A_38 = arith.constant 1 : i32
    %add3A_39 = arith.addi %add3A_37, %add3A_38 : i32
    %broadcast_in_dim3A = arith.constant 1.000000e+00 : f32
    %broadcast_in_dim3A_40 = vector.broadcast %broadcast_in_dim3A : f32 to vector<16xf32>
    %scan3A = arith.constant 0 : i32
    %scan3A_41 = arith.constant 8 : i32
    %scan3A_42 = arith.addi %scan3A, %scan3A_41 : i32
    %scan3A_43 = arith.constant 1 : i32
    scf.for %scan3A_45 = %scan3A to %scan3A_42 step %scan3A_43  : i32 {
      %mul3A_46 = arith.constant 1 : i32
      %mul3A_47 = arith.muli %scan3A_45, %mul3A_46 : i32
      %add3A_48 = arith.constant 0 : i32
      %add3A_49 = arith.addi %add3A_48, %mul3A_47 : i32
      %dma_start3A = arith.constant 0 : i32
      %dma_start3A_50 = arith.constant 0 : i32
      %dma_start3A_51 = tpu.memref_slice %arg4[%add3A_49, %dma_start3A, %dma_start3A_50] : memref<8x784x128xi32, #tpu.memory_space<hbm>> -> memref<1x8x128xi32, #tpu.memory_space<hbm>>
      %dma_start3A_52 = tpu.memref_squeeze %dma_start3A_51 : memref<1x8x128xi32, #tpu.memory_space<hbm>> -> memref<8x128xi32, #tpu.memory_space<hbm>>
      %dma_start3A_53 = arith.constant 0 : i32
      %dma_start3A_54 = arith.constant 0 : i32
      %dma_start3A_55 = tpu.memref_slice %arg4[%add3A_49, %dma_start3A_53, %dma_start3A_54] : memref<8x784x128xi32, #tpu.memory_space<hbm>> -> memref<1x8x128xi32, #tpu.memory_space<hbm>>
      %dma_start3A_56 = tpu.memref_squeeze %dma_start3A_55 : memref<1x8x128xi32, #tpu.memory_space<hbm>> -> memref<8x128xi32, #tpu.memory_space<hbm>>
      tpu.enqueue_dma source(%dma_start3A_56 : memref<8x128xi32, #tpu.memory_space<hbm>>) target(%arg7 : memref<8x128xi32, #tpu.memory_space<vmem>>) target_semaphore(%arg11 : memref<!tpu.dma_semaphore, #tpu.memory_space<semaphore_mem>>)
      %dma_start3A_57 = arith.constant 0 : i32
      %dma_start3A_58 = arith.constant 0 : i32
      %dma_start3A_59 = tpu.memref_slice %arg8[%dma_start3A_57, %dma_start3A_58] : memref<8x1024xf32, #tpu.memory_space<vmem>> -> memref<8x1024xf32, #tpu.memory_space<vmem>>
      %dma_start3A_60 = arith.constant 0 : i32
      %dma_start3A_61 = tpu.memref_slice %arg2[%add3A_49, %mul3A_18, %dma_start3A_60] : memref<8x64x100000xf32, #tpu.memory_space<hbm>> -> memref<1x8x1024xf32, #tpu.memory_space<hbm>>
      %dma_start3A_62 = tpu.memref_squeeze %dma_start3A_61 : memref<1x8x1024xf32, #tpu.memory_space<hbm>> -> memref<8x1024xf32, #tpu.memory_space<hbm>>
      %dma_start3A_63 = arith.constant 0 : i32
      %dma_start3A_64 = arith.constant 0 : i32
      %dma_start3A_65 = tpu.memref_slice %arg8[%dma_start3A_63, %dma_start3A_64] : memref<8x1024xf32, #tpu.memory_space<vmem>> -> memref<8x1024xf32, #tpu.memory_space<vmem>>
      %dma_start3A_66 = arith.constant 0 : i32
      %dma_start3A_67 = tpu.memref_slice %arg2[%add3A_49, %mul3A_18, %dma_start3A_66] : memref<8x64x100000xf32, #tpu.memory_space<hbm>> -> memref<1x8x1024xf32, #tpu.memory_space<hbm>>
      %dma_start3A_68 = tpu.memref_squeeze %dma_start3A_67 : memref<1x8x1024xf32, #tpu.memory_space<hbm>> -> memref<8x1024xf32, #tpu.memory_space<hbm>>
      tpu.enqueue_dma source(%dma_start3A_68 : memref<8x1024xf32, #tpu.memory_space<hbm>>) target(%dma_start3A_65 : memref<8x1024xf32, #tpu.memory_space<vmem>>) target_semaphore(%arg11 : memref<!tpu.dma_semaphore, #tpu.memory_space<semaphore_mem>>)
      %parallel_loop3A = arith.constant 0 : i32
      %parallel_loop3A_69 = arith.constant 98304 : i32
      %parallel_loop3A_70 = arith.constant 16 : i32
      scf.for %parallel_loop3A_162 = %parallel_loop3A to %parallel_loop3A_69 step %parallel_loop3A_70  : i32 {
        %parallel_loop3A_163 = arith.constant 0.000000e+00 : f32
        %parallel_loop3A_164 = vector.broadcast %parallel_loop3A_163 : f32 to vector<16xf32>
        %parallel_loop3A_165 = arith.index_cast %parallel_loop3A_162 : i32 to index
        %parallel_loop3A_166 = tpu.vector_load %arg6[%parallel_loop3A_165] {strides = array<i32>} : memref<98304xf32, #tpu.memory_space<vmem>>, vector<16xf32>,
        tpu.vector_store %arg6[%parallel_loop3A_165], %parallel_loop3A_164 {strides = array<i32>} : memref<98304xf32, #tpu.memory_space<vmem>>, vector<16xf32>,
      } {sc.loop_unroll_factor = 8 : i64, sc.parallel_access}
      %scan3A_71 = arith.constant 0 : i32
      %scan3A_72 = arith.constant 48 : i32
      %scan3A_73 = arith.addi %scan3A_71, %scan3A_72 : i32
      %scan3A_74 = arith.constant 1 : i32
      scf.for %scan3A_162 = %scan3A_71 to %scan3A_73 step %scan3A_74  : i32 {
        %mul3A_163 = arith.constant 2 : i32
        %mul3A_164 = arith.muli %scan3A_162, %mul3A_163 : i32
        %add3A_165 = arith.constant 0 : i32
        %add3A_166 = arith.addi %add3A_165, %mul3A_164 : i32
        %add3A_167 = arith.constant 1 : i32
        %add3A_168 = arith.addi %add3A_166, %add3A_167 : i32
        %mul3A_169 = arith.constant 8 : i32
        %mul3A_170 = arith.muli %add3A_168, %mul3A_169 : i32
        %dma_start3A_171 = arith.constant 0 : i32
        %dma_start3A_172 = tpu.memref_slice %arg4[%add3A_49, %mul3A_170, %dma_start3A_171] : memref<8x784x128xi32, #tpu.memory_space<hbm>> -> memref<1x8x128xi32, #tpu.memory_space<hbm>>
        %dma_start3A_173 = tpu.memref_squeeze %dma_start3A_172 : memref<1x8x128xi32, #tpu.memory_space<hbm>> -> memref<8x128xi32, #tpu.memory_space<hbm>>
        %dma_start3A_174 = arith.constant 0 : i32
        %dma_start3A_175 = tpu.memref_slice %arg4[%add3A_49, %mul3A_170, %dma_start3A_174] : memref<8x784x128xi32, #tpu.memory_space<hbm>> -> memref<1x8x128xi32, #tpu.memory_space<hbm>>
        %dma_start3A_176 = tpu.memref_squeeze %dma_start3A_175 : memref<1x8x128xi32, #tpu.memory_space<hbm>> -> memref<8x128xi32, #tpu.memory_space<hbm>>
        tpu.enqueue_dma source(%dma_start3A_176 : memref<8x128xi32, #tpu.memory_space<hbm>>) target(%arg9 : memref<8x128xi32, #tpu.memory_space<vmem>>) target_semaphore(%arg12 : memref<!tpu.dma_semaphore, #tpu.memory_space<semaphore_mem>>)
        %mul3A_177 = arith.constant 1024 : i32
        %mul3A_178 = arith.muli %add3A_168, %mul3A_177 : i32
        %dma_start3A_179 = arith.constant 0 : i32
        %dma_start3A_180 = arith.constant 0 : i32
        %dma_start3A_181 = tpu.memref_slice %arg10[%dma_start3A_179, %dma_start3A_180] : memref<8x1024xf32, #tpu.memory_space<vmem>> -> memref<8x1024xf32, #tpu.memory_space<vmem>>
        %dma_start3A_182 = tpu.memref_slice %arg2[%add3A_49, %mul3A_18, %mul3A_178] : memref<8x64x100000xf32, #tpu.memory_space<hbm>> -> memref<1x8x1024xf32, #tpu.memory_space<hbm>>
        %dma_start3A_183 = tpu.memref_squeeze %dma_start3A_182 : memref<1x8x1024xf32, #tpu.memory_space<hbm>> -> memref<8x1024xf32, #tpu.memory_space<hbm>>
        %dma_start3A_184 = arith.constant 0 : i32
        %dma_start3A_185 = arith.constant 0 : i32
        %dma_start3A_186 = tpu.memref_slice %arg10[%dma_start3A_184, %dma_start3A_185] : memref<8x1024xf32, #tpu.memory_space<vmem>> -> memref<8x1024xf32, #tpu.memory_space<vmem>>
        %dma_start3A_187 = tpu.memref_slice %arg2[%add3A_49, %mul3A_18, %mul3A_178] : memref<8x64x100000xf32, #tpu.memory_space<hbm>> -> memref<1x8x1024xf32, #tpu.memory_space<hbm>>
        %dma_start3A_188 = tpu.memref_squeeze %dma_start3A_187 : memref<1x8x1024xf32, #tpu.memory_space<hbm>> -> memref<8x1024xf32, #tpu.memory_space<hbm>>
        tpu.enqueue_dma source(%dma_start3A_188 : memref<8x1024xf32, #tpu.memory_space<hbm>>) target(%dma_start3A_186 : memref<8x1024xf32, #tpu.memory_space<vmem>>) target_semaphore(%arg12 : memref<!tpu.dma_semaphore, #tpu.memory_space<semaphore_mem>>)
        %dma_wait3A_189 = arith.constant 0 : i32
        %dma_wait3A_190 = arith.constant 0 : i32
        %dma_wait3A_191 = arith.constant 0 : i32
        %dma_wait3A_192 = tpu.memref_slice %arg4[%dma_wait3A_189, %dma_wait3A_190, %dma_wait3A_191] : memref<8x784x128xi32, #tpu.memory_space<hbm>> -> memref<1x8x128xi32, #tpu.memory_space<hbm>>
        %dma_wait3A_193 = tpu.memref_squeeze %dma_wait3A_192 : memref<1x8x128xi32, #tpu.memory_space<hbm>> -> memref<8x128xi32, #tpu.memory_space<hbm>>
        %dma_wait3A_194 = arith.constant 0 : i32
        %dma_wait3A_195 = arith.constant 0 : i32
        %dma_wait3A_196 = tpu.memref_slice %arg4[%dma_wait3A_189, %dma_wait3A_194, %dma_wait3A_195] : memref<8x784x128xi32, #tpu.memory_space<hbm>> -> memref<1x8x128xi32, #tpu.memory_space<hbm>>
        %dma_wait3A_197 = tpu.memref_squeeze %dma_wait3A_196 : memref<1x8x128xi32, #tpu.memory_space<hbm>> -> memref<8x128xi32, #tpu.memory_space<hbm>>
        tpu.wait_dma2 semaphore(%arg11 : memref<!tpu.dma_semaphore, #tpu.memory_space<semaphore_mem>>) src(%dma_wait3A_197 : memref<8x128xi32, #tpu.memory_space<hbm>>) dst(%arg7 : memref<8x128xi32, #tpu.memory_space<vmem>>)
        %dma_wait3A_198 = arith.constant 0 : i32
        %dma_wait3A_199 = arith.constant 0 : i32
        %dma_wait3A_200 = arith.constant 0 : i32
        %dma_wait3A_201 = tpu.memref_slice %arg8[%dma_wait3A_199, %dma_wait3A_200] : memref<8x1024xf32, #tpu.memory_space<vmem>> -> memref<8x1024xf32, #tpu.memory_space<vmem>>
        %dma_wait3A_202 = arith.constant 0 : i32
        %dma_wait3A_203 = arith.constant 0 : i32
        %dma_wait3A_204 = tpu.memref_slice %arg2[%dma_wait3A_198, %dma_wait3A_202, %dma_wait3A_203] : memref<8x64x100000xf32, #tpu.memory_space<hbm>> -> memref<1x8x1024xf32, #tpu.memory_space<hbm>>
        %dma_wait3A_205 = tpu.memref_squeeze %dma_wait3A_204 : memref<1x8x1024xf32, #tpu.memory_space<hbm>> -> memref<8x1024xf32, #tpu.memory_space<hbm>>
        %dma_wait3A_206 = arith.constant 0 : i32
        %dma_wait3A_207 = arith.constant 0 : i32
        %dma_wait3A_208 = tpu.memref_slice %arg8[%dma_wait3A_206, %dma_wait3A_207] : memref<8x1024xf32, #tpu.memory_space<vmem>> -> memref<8x1024xf32, #tpu.memory_space<vmem>>
        %dma_wait3A_209 = arith.constant 0 : i32
        %dma_wait3A_210 = arith.constant 0 : i32
        %dma_wait3A_211 = tpu.memref_slice %arg2[%dma_wait3A_198, %dma_wait3A_209, %dma_wait3A_210] : memref<8x64x100000xf32, #tpu.memory_space<hbm>> -> memref<1x8x1024xf32, #tpu.memory_space<hbm>>
        %dma_wait3A_212 = tpu.memref_squeeze %dma_wait3A_211 : memref<1x8x1024xf32, #tpu.memory_space<hbm>> -> memref<8x1024xf32, #tpu.memory_space<hbm>>
        tpu.wait_dma2 semaphore(%arg11 : memref<!tpu.dma_semaphore, #tpu.memory_space<semaphore_mem>>) src(%dma_wait3A_212 : memref<8x1024xf32, #tpu.memory_space<hbm>>) dst(%dma_wait3A_208 : memref<8x1024xf32, #tpu.memory_space<vmem>>)
        %parallel_loop3A_213 = arith.constant 0 : i32
        %parallel_loop3A_214 = arith.constant 1024 : i32
        %parallel_loop3A_215 = arith.constant 16 : i32
        scf.for %parallel_loop3A_265 = %parallel_loop3A_213 to %parallel_loop3A_214 step %parallel_loop3A_215  : i32 {
          %parallel_loop3A_266 = arith.constant 128 : i32
          %parallel_loop3A_267 = arith.divsi %parallel_loop3A_265, %parallel_loop3A_266 : i32
          %parallel_loop3A_268 = arith.constant 0 : i32
          %parallel_loop3A_269 = arith.cmpi sgt, %parallel_loop3A_265, %parallel_loop3A_268 : i32
          %parallel_loop3A_270 = arith.extui %parallel_loop3A_269 : i1 to i32
          %parallel_loop3A_271 = arith.constant 0 : i32
          %parallel_loop3A_272 = arith.cmpi slt, %parallel_loop3A_265, %parallel_loop3A_271 : i32
          %parallel_loop3A_273 = arith.extui %parallel_loop3A_272 : i1 to i32
          %parallel_loop3A_274 = arith.subi %parallel_loop3A_270, %parallel_loop3A_273 : i32
          %parallel_loop3A_275 = arith.constant 0 : i32
          %parallel_loop3A_276 = arith.cmpi sgt, %parallel_loop3A_266, %parallel_loop3A_275 : i32
          %parallel_loop3A_277 = arith.extui %parallel_loop3A_276 : i1 to i32
          %parallel_loop3A_278 = arith.constant 0 : i32
          %parallel_loop3A_279 = arith.cmpi slt, %parallel_loop3A_266, %parallel_loop3A_278 : i32
          %parallel_loop3A_280 = arith.extui %parallel_loop3A_279 : i1 to i32
          %parallel_loop3A_281 = arith.subi %parallel_loop3A_277, %parallel_loop3A_280 : i32
          %parallel_loop3A_282 = arith.cmpi ne, %parallel_loop3A_274, %parallel_loop3A_281 : i32
          %parallel_loop3A_283 = arith.remsi %parallel_loop3A_265, %parallel_loop3A_266 : i32
          %parallel_loop3A_284 = arith.constant 0 : i32
          %parallel_loop3A_285 = arith.cmpi ne, %parallel_loop3A_283, %parallel_loop3A_284 : i32
          %parallel_loop3A_286 = arith.andi %parallel_loop3A_282, %parallel_loop3A_285 : i1
          %parallel_loop3A_287 = arith.constant 1 : i32
          %parallel_loop3A_288 = arith.subi %parallel_loop3A_267, %parallel_loop3A_287 : i32
          %parallel_loop3A_289 = arith.select %parallel_loop3A_286, %parallel_loop3A_288, %parallel_loop3A_267 : i32
          %parallel_loop3A_290 = arith.constant 128 : i32
          %parallel_loop3A_291 = arith.constant 0 : i32
          %parallel_loop3A_292 = arith.cmpi eq, %parallel_loop3A_290, %parallel_loop3A_291 : i32
          %parallel_loop3A_293 = arith.constant 1 : i32
          %parallel_loop3A_294 = arith.select %parallel_loop3A_292, %parallel_loop3A_293, %parallel_loop3A_290 : i32
          %parallel_loop3A_295 = arith.remsi %parallel_loop3A_265, %parallel_loop3A_294 : i32
          %parallel_loop3A_296 = arith.constant 0 : i32
          %parallel_loop3A_297 = arith.cmpi ne, %parallel_loop3A_295, %parallel_loop3A_296 : i32
          %parallel_loop3A_298 = arith.constant 0 : i32
          %parallel_loop3A_299 = arith.cmpi slt, %parallel_loop3A_295, %parallel_loop3A_298 : i32
          %parallel_loop3A_300 = arith.constant 0 : i32
          %parallel_loop3A_301 = arith.cmpi slt, %parallel_loop3A_294, %parallel_loop3A_300 : i32
          %parallel_loop3A_302 = arith.xori %parallel_loop3A_299, %parallel_loop3A_301 : i1
          %parallel_loop3A_303 = arith.andi %parallel_loop3A_302, %parallel_loop3A_297 : i1
          %parallel_loop3A_304 = arith.addi %parallel_loop3A_295, %parallel_loop3A_294 : i32
          %parallel_loop3A_305 = arith.select %parallel_loop3A_303, %parallel_loop3A_304, %parallel_loop3A_295 : i32
          %parallel_loop3A_306 = arith.index_cast %parallel_loop3A_289 : i32 to index
          %parallel_loop3A_307 = arith.index_cast %parallel_loop3A_305 : i32 to index
          %parallel_loop3A_308 = tpu.vector_load %arg7[%parallel_loop3A_306, %parallel_loop3A_307] {strides = array<i32>} : memref<8x128xi32, #tpu.memory_space<vmem>>, vector<16xi32>,
          %parallel_loop3A_309 = arith.index_cast %select_n3A_34 : i32 to index
          %parallel_loop3A_310 = arith.index_cast %parallel_loop3A_265 : i32 to index
          %parallel_loop3A_311 = tpu.vector_load %arg8[%parallel_loop3A_309, %parallel_loop3A_310] {strides = array<i32>} : memref<8x1024xf32, #tpu.memory_space<vmem>>, vector<16xf32>,
          %parallel_loop3A_312 = arith.index_cast %add3A_36 : i32 to index
          %parallel_loop3A_313 = arith.index_cast %parallel_loop3A_265 : i32 to index
          %parallel_loop3A_314 = tpu.vector_load %arg8[%parallel_loop3A_312, %parallel_loop3A_313] {strides = array<i32>} : memref<8x1024xf32, #tpu.memory_space<vmem>>, vector<16xf32>,
          tpu.vector_store_idx %arg6[%parallel_loop3A_308], %parallel_loop3A_311 {add = true} : memref<98304xf32, #tpu.memory_space<vmem>>[vector<16xi32>], vector<16xf32>,
          %parallel_loop3A_315 = arith.constant 32768 : i32
          %parallel_loop3A_316 = vector.broadcast %parallel_loop3A_315 : i32 to vector<16xi32>
          %parallel_loop3A_317 = arith.addi %parallel_loop3A_308, %parallel_loop3A_316 : vector<16xi32>
          tpu.vector_store_idx %arg6[%parallel_loop3A_317], %parallel_loop3A_314 {add = true} : memref<98304xf32, #tpu.memory_space<vmem>>[vector<16xi32>], vector<16xf32>,
          %parallel_loop3A_318 = arith.constant 65536 : i32
          %parallel_loop3A_319 = vector.broadcast %parallel_loop3A_318 : i32 to vector<16xi32>
          %parallel_loop3A_320 = arith.addi %parallel_loop3A_308, %parallel_loop3A_319 : vector<16xi32>
          tpu.vector_store_idx %arg6[%parallel_loop3A_320], %broadcast_in_dim3A_40 {add = true} : memref<98304xf32, #tpu.memory_space<vmem>>[vector<16xi32>], vector<16xf32>,
        } {sc.loop_unroll_factor = 4 : i64, sc.parallel_access}
        %add3A_216 = arith.constant 2 : i32
        %add3A_217 = arith.addi %add3A_166, %add3A_216 : i32
        %mul3A_218 = arith.constant 8 : i32
        %mul3A_219 = arith.muli %add3A_217, %mul3A_218 : i32
        %dma_start3A_220 = arith.constant 0 : i32
        %dma_start3A_221 = tpu.memref_slice %arg4[%add3A_49, %mul3A_219, %dma_start3A_220] : memref<8x784x128xi32, #tpu.memory_space<hbm>> -> memref<1x8x128xi32, #tpu.memory_space<hbm>>
        %dma_start3A_222 = tpu.memref_squeeze %dma_start3A_221 : memref<1x8x128xi32, #tpu.memory_space<hbm>> -> memref<8x128xi32, #tpu.memory_space<hbm>>
        %dma_start3A_223 = arith.constant 0 : i32
        %dma_start3A_224 = tpu.memref_slice %arg4[%add3A_49, %mul3A_219, %dma_start3A_223] : memref<8x784x128xi32, #tpu.memory_space<hbm>> -> memref<1x8x128xi32, #tpu.memory_space<hbm>>
        %dma_start3A_225 = tpu.memref_squeeze %dma_start3A_224 : memref<1x8x128xi32, #tpu.memory_space<hbm>> -> memref<8x128xi32, #tpu.memory_space<hbm>>
        tpu.enqueue_dma source(%dma_start3A_225 : memref<8x128xi32, #tpu.memory_space<hbm>>) target(%arg7 : memref<8x128xi32, #tpu.memory_space<vmem>>) target_semaphore(%arg11 : memref<!tpu.dma_semaphore, #tpu.memory_space<semaphore_mem>>)
        %mul3A_226 = arith.constant 1024 : i32
        %mul3A_227 = arith.muli %add3A_217, %mul3A_226 : i32
        %dma_start3A_228 = arith.constant 0 : i32
        %dma_start3A_229 = arith.constant 0 : i32
        %dma_start3A_230 = tpu.memref_slice %arg8[%dma_start3A_228, %dma_start3A_229] : memref<8x1024xf32, #tpu.memory_space<vmem>> -> memref<8x1024xf32, #tpu.memory_space<vmem>>
        %dma_start3A_231 = tpu.memref_slice %arg2[%add3A_49, %mul3A_18, %mul3A_227] : memref<8x64x100000xf32, #tpu.memory_space<hbm>> -> memref<1x8x1024xf32, #tpu.memory_space<hbm>>
        %dma_start3A_232 = tpu.memref_squeeze %dma_start3A_231 : memref<1x8x1024xf32, #tpu.memory_space<hbm>> -> memref<8x1024xf32, #tpu.memory_space<hbm>>
        %dma_start3A_233 = arith.constant 0 : i32
        %dma_start3A_234 = arith.constant 0 : i32
        %dma_start3A_235 = tpu.memref_slice %arg8[%dma_start3A_233, %dma_start3A_234] : memref<8x1024xf32, #tpu.memory_space<vmem>> -> memref<8x1024xf32, #tpu.memory_space<vmem>>
        %dma_start3A_236 = tpu.memref_slice %arg2[%add3A_49, %mul3A_18, %mul3A_227] : memref<8x64x100000xf32, #tpu.memory_space<hbm>> -> memref<1x8x1024xf32, #tpu.memory_space<hbm>>
        %dma_start3A_237 = tpu.memref_squeeze %dma_start3A_236 : memref<1x8x1024xf32, #tpu.memory_space<hbm>> -> memref<8x1024xf32, #tpu.memory_space<hbm>>
        tpu.enqueue_dma source(%dma_start3A_237 : memref<8x1024xf32, #tpu.memory_space<hbm>>) target(%dma_start3A_235 : memref<8x1024xf32, #tpu.memory_space<vmem>>) target_semaphore(%arg11 : memref<!tpu.dma_semaphore, #tpu.memory_space<semaphore_mem>>)
        %dma_wait3A_238 = arith.constant 0 : i32
        %dma_wait3A_239 = arith.constant 0 : i32
        %dma_wait3A_240 = arith.constant 0 : i32
        %dma_wait3A_241 = tpu.memref_slice %arg4[%dma_wait3A_238, %dma_wait3A_239, %dma_wait3A_240] : memref<8x784x128xi32, #tpu.memory_space<hbm>> -> memref<1x8x128xi32, #tpu.memory_space<hbm>>
        %dma_wait3A_242 = tpu.memref_squeeze %dma_wait3A_241 : memref<1x8x128xi32, #tpu.memory_space<hbm>> -> memref<8x128xi32, #tpu.memory_space<hbm>>
        %dma_wait3A_243 = arith.constant 0 : i32
        %dma_wait3A_244 = arith.constant 0 : i32
        %dma_wait3A_245 = tpu.memref_slice %arg4[%dma_wait3A_238, %dma_wait3A_243, %dma_wait3A_244] : memref<8x784x128xi32, #tpu.memory_space<hbm>> -> memref<1x8x128xi32, #tpu.memory_space<hbm>>
        %dma_wait3A_246 = tpu.memref_squeeze %dma_wait3A_245 : memref<1x8x128xi32, #tpu.memory_space<hbm>> -> memref<8x128xi32, #tpu.memory_space<hbm>>
        tpu.wait_dma2 semaphore(%arg12 : memref<!tpu.dma_semaphore, #tpu.memory_space<semaphore_mem>>) src(%dma_wait3A_246 : memref<8x128xi32, #tpu.memory_space<hbm>>) dst(%arg9 : memref<8x128xi32, #tpu.memory_space<vmem>>)
        %dma_wait3A_247 = arith.constant 0 : i32
        %dma_wait3A_248 = arith.constant 0 : i32
        %dma_wait3A_249 = arith.constant 0 : i32
        %dma_wait3A_250 = tpu.memref_slice %arg10[%dma_wait3A_248, %dma_wait3A_249] : memref<8x1024xf32, #tpu.memory_space<vmem>> -> memref<8x1024xf32, #tpu.memory_space<vmem>>
        %dma_wait3A_251 = arith.constant 0 : i32
        %dma_wait3A_252 = arith.constant 0 : i32
        %dma_wait3A_253 = tpu.memref_slice %arg2[%dma_wait3A_247, %dma_wait3A_251, %dma_wait3A_252] : memref<8x64x100000xf32, #tpu.memory_space<hbm>> -> memref<1x8x1024xf32, #tpu.memory_space<hbm>>
        %dma_wait3A_254 = tpu.memref_squeeze %dma_wait3A_253 : memref<1x8x1024xf32, #tpu.memory_space<hbm>> -> memref<8x1024xf32, #tpu.memory_space<hbm>>
        %dma_wait3A_255 = arith.constant 0 : i32
        %dma_wait3A_256 = arith.constant 0 : i32
        %dma_wait3A_257 = tpu.memref_slice %arg10[%dma_wait3A_255, %dma_wait3A_256] : memref<8x1024xf32, #tpu.memory_space<vmem>> -> memref<8x1024xf32, #tpu.memory_space<vmem>>
        %dma_wait3A_258 = arith.constant 0 : i32
        %dma_wait3A_259 = arith.constant 0 : i32
        %dma_wait3A_260 = tpu.memref_slice %arg2[%dma_wait3A_247, %dma_wait3A_258, %dma_wait3A_259] : memref<8x64x100000xf32, #tpu.memory_space<hbm>> -> memref<1x8x1024xf32, #tpu.memory_space<hbm>>
        %dma_wait3A_261 = tpu.memref_squeeze %dma_wait3A_260 : memref<1x8x1024xf32, #tpu.memory_space<hbm>> -> memref<8x1024xf32, #tpu.memory_space<hbm>>
        tpu.wait_dma2 semaphore(%arg12 : memref<!tpu.dma_semaphore, #tpu.memory_space<semaphore_mem>>) src(%dma_wait3A_261 : memref<8x1024xf32, #tpu.memory_space<hbm>>) dst(%dma_wait3A_257 : memref<8x1024xf32, #tpu.memory_space<vmem>>)
        %parallel_loop3A_262 = arith.constant 0 : i32
        %parallel_loop3A_263 = arith.constant 1024 : i32
        %parallel_loop3A_264 = arith.constant 16 : i32
        scf.for %parallel_loop3A_265 = %parallel_loop3A_262 to %parallel_loop3A_263 step %parallel_loop3A_264  : i32 {
          %parallel_loop3A_266 = arith.constant 128 : i32
          %parallel_loop3A_267 = arith.divsi %parallel_loop3A_265, %parallel_loop3A_266 : i32
          %parallel_loop3A_268 = arith.constant 0 : i32
          %parallel_loop3A_269 = arith.cmpi sgt, %parallel_loop3A_265, %parallel_loop3A_268 : i32
          %parallel_loop3A_270 = arith.extui %parallel_loop3A_269 : i1 to i32
          %parallel_loop3A_271 = arith.constant 0 : i32
          %parallel_loop3A_272 = arith.cmpi slt, %parallel_loop3A_265, %parallel_loop3A_271 : i32
          %parallel_loop3A_273 = arith.extui %parallel_loop3A_272 : i1 to i32
          %parallel_loop3A_274 = arith.subi %parallel_loop3A_270, %parallel_loop3A_273 : i32
          %parallel_loop3A_275 = arith.constant 0 : i32
          %parallel_loop3A_276 = arith.cmpi sgt, %parallel_loop3A_266, %parallel_loop3A_275 : i32
          %parallel_loop3A_277 = arith.extui %parallel_loop3A_276 : i1 to i32
          %parallel_loop3A_278 = arith.constant 0 : i32
          %parallel_loop3A_279 = arith.cmpi slt, %parallel_loop3A_266, %parallel_loop3A_278 : i32
          %parallel_loop3A_280 = arith.extui %parallel_loop3A_279 : i1 to i32
          %parallel_loop3A_281 = arith.subi %parallel_loop3A_277, %parallel_loop3A_280 : i32
          %parallel_loop3A_282 = arith.cmpi ne, %parallel_loop3A_274, %parallel_loop3A_281 : i32
          %parallel_loop3A_283 = arith.remsi %parallel_loop3A_265, %parallel_loop3A_266 : i32
          %parallel_loop3A_284 = arith.constant 0 : i32
          %parallel_loop3A_285 = arith.cmpi ne, %parallel_loop3A_283, %parallel_loop3A_284 : i32
          %parallel_loop3A_286 = arith.andi %parallel_loop3A_282, %parallel_loop3A_285 : i1
          %parallel_loop3A_287 = arith.constant 1 : i32
          %parallel_loop3A_288 = arith.subi %parallel_loop3A_267, %parallel_loop3A_287 : i32
          %parallel_loop3A_289 = arith.select %parallel_loop3A_286, %parallel_loop3A_288, %parallel_loop3A_267 : i32
          %parallel_loop3A_290 = arith.constant 128 : i32
          %parallel_loop3A_291 = arith.constant 0 : i32
          %parallel_loop3A_292 = arith.cmpi eq, %parallel_loop3A_290, %parallel_loop3A_291 : i32
          %parallel_loop3A_293 = arith.constant 1 : i32
          %parallel_loop3A_294 = arith.select %parallel_loop3A_292, %parallel_loop3A_293, %parallel_loop3A_290 : i32
          %parallel_loop3A_295 = arith.remsi %parallel_loop3A_265, %parallel_loop3A_294 : i32
          %parallel_loop3A_296 = arith.constant 0 : i32
          %parallel_loop3A_297 = arith.cmpi ne, %parallel_loop3A_295, %parallel_loop3A_296 : i32
          %parallel_loop3A_298 = arith.constant 0 : i32
          %parallel_loop3A_299 = arith.cmpi slt, %parallel_loop3A_295, %parallel_loop3A_298 : i32
          %parallel_loop3A_300 = arith.constant 0 : i32
          %parallel_loop3A_301 = arith.cmpi slt, %parallel_loop3A_294, %parallel_loop3A_300 : i32
          %parallel_loop3A_302 = arith.xori %parallel_loop3A_299, %parallel_loop3A_301 : i1
          %parallel_loop3A_303 = arith.andi %parallel_loop3A_302, %parallel_loop3A_297 : i1
          %parallel_loop3A_304 = arith.addi %parallel_loop3A_295, %parallel_loop3A_294 : i32
          %parallel_loop3A_305 = arith.select %parallel_loop3A_303, %parallel_loop3A_304, %parallel_loop3A_295 : i32
          %parallel_loop3A_306 = arith.index_cast %parallel_loop3A_289 : i32 to index
          %parallel_loop3A_307 = arith.index_cast %parallel_loop3A_305 : i32 to index
          %parallel_loop3A_308 = tpu.vector_load %arg9[%parallel_loop3A_306, %parallel_loop3A_307] {strides = array<i32>} : memref<8x128xi32, #tpu.memory_space<vmem>>, vector<16xi32>,
          %parallel_loop3A_309 = arith.index_cast %select_n3A_34 : i32 to index
          %parallel_loop3A_310 = arith.index_cast %parallel_loop3A_265 : i32 to index
          %parallel_loop3A_311 = tpu.vector_load %arg10[%parallel_loop3A_309, %parallel_loop3A_310] {strides = array<i32>} : memref<8x1024xf32, #tpu.memory_space<vmem>>, vector<16xf32>,
          %parallel_loop3A_312 = arith.index_cast %add3A_36 : i32 to index
          %parallel_loop3A_313 = arith.index_cast %parallel_loop3A_265 : i32 to index
          %parallel_loop3A_314 = tpu.vector_load %arg10[%parallel_loop3A_312, %parallel_loop3A_313] {strides = array<i32>} : memref<8x1024xf32, #tpu.memory_space<vmem>>, vector<16xf32>,
          tpu.vector_store_idx %arg6[%parallel_loop3A_308], %parallel_loop3A_311 {add = true} : memref<98304xf32, #tpu.memory_space<vmem>>[vector<16xi32>], vector<16xf32>,
          %parallel_loop3A_315 = arith.constant 32768 : i32
          %parallel_loop3A_316 = vector.broadcast %parallel_loop3A_315 : i32 to vector<16xi32>
          %parallel_loop3A_317 = arith.addi %parallel_loop3A_308, %parallel_loop3A_316 : vector<16xi32>
          tpu.vector_store_idx %arg6[%parallel_loop3A_317], %parallel_loop3A_314 {add = true} : memref<98304xf32, #tpu.memory_space<vmem>>[vector<16xi32>], vector<16xf32>,
          %parallel_loop3A_318 = arith.constant 65536 : i32
          %parallel_loop3A_319 = vector.broadcast %parallel_loop3A_318 : i32 to vector<16xi32>
          %parallel_loop3A_320 = arith.addi %parallel_loop3A_308, %parallel_loop3A_319 : vector<16xi32>
          tpu.vector_store_idx %arg6[%parallel_loop3A_320], %broadcast_in_dim3A_40 {add = true} : memref<98304xf32, #tpu.memory_space<vmem>>[vector<16xi32>], vector<16xf32>,
        } {sc.loop_unroll_factor = 4 : i64, sc.parallel_access}
      }
      %scan3A_75 = arith.constant 48 : i32
      %dma_start3A_76 = arith.constant 776 : i32
      %dma_start3A_77 = arith.constant 0 : i32
      %dma_start3A_78 = tpu.memref_slice %arg4[%add3A_49, %dma_start3A_76, %dma_start3A_77] : memref<8x784x128xi32, #tpu.memory_space<hbm>> -> memref<1x8x128xi32, #tpu.memory_space<hbm>>
      %dma_start3A_79 = tpu.memref_squeeze %dma_start3A_78 : memref<1x8x128xi32, #tpu.memory_space<hbm>> -> memref<8x128xi32, #tpu.memory_space<hbm>>
      %dma_start3A_80 = arith.constant 776 : i32
      %dma_start3A_81 = arith.constant 0 : i32
      %dma_start3A_82 = tpu.memref_slice %arg4[%add3A_49, %dma_start3A_80, %dma_start3A_81] : memref<8x784x128xi32, #tpu.memory_space<hbm>> -> memref<1x8x128xi32, #tpu.memory_space<hbm>>
      %dma_start3A_83 = tpu.memref_squeeze %dma_start3A_82 : memref<1x8x128xi32, #tpu.memory_space<hbm>> -> memref<8x128xi32, #tpu.memory_space<hbm>>
      tpu.enqueue_dma source(%dma_start3A_83 : memref<8x128xi32, #tpu.memory_space<hbm>>) target(%arg9 : memref<8x128xi32, #tpu.memory_space<vmem>>) target_semaphore(%arg12 : memref<!tpu.dma_semaphore, #tpu.memory_space<semaphore_mem>>)
      %dma_start3A_84 = arith.constant 0 : i32
      %dma_start3A_85 = arith.constant 0 : i32
      %dma_start3A_86 = tpu.memref_slice %arg10[%dma_start3A_84, %dma_start3A_85] : memref<8x1024xf32, #tpu.memory_space<vmem>> -> memref<8x768xf32, #tpu.memory_space<vmem>>
      %dma_start3A_87 = arith.constant 0 : i32
      %dma_start3A_88 = tpu.memref_slice %arg3[%add3A_49, %mul3A_18, %dma_start3A_87] : memref<8x64x768xf32, #tpu.memory_space<hbm>> -> memref<1x8x768xf32, #tpu.memory_space<hbm>>
      %dma_start3A_89 = tpu.memref_squeeze %dma_start3A_88 : memref<1x8x768xf32, #tpu.memory_space<hbm>> -> memref<8x768xf32, #tpu.memory_space<hbm>>
      %dma_start3A_90 = arith.constant 0 : i32
      %dma_start3A_91 = arith.constant 0 : i32
      %dma_start3A_92 = tpu.memref_slice %arg10[%dma_start3A_90, %dma_start3A_91] : memref<8x1024xf32, #tpu.memory_space<vmem>> -> memref<8x768xf32, #tpu.memory_space<vmem>>
      %dma_start3A_93 = arith.constant 0 : i32
      %dma_start3A_94 = tpu.memref_slice %arg3[%add3A_49, %mul3A_18, %dma_start3A_93] : memref<8x64x768xf32, #tpu.memory_space<hbm>> -> memref<1x8x768xf32, #tpu.memory_space<hbm>>
      %dma_start3A_95 = tpu.memref_squeeze %dma_start3A_94 : memref<1x8x768xf32, #tpu.memory_space<hbm>> -> memref<8x768xf32, #tpu.memory_space<hbm>>
      tpu.enqueue_dma source(%dma_start3A_95 : memref<8x768xf32, #tpu.memory_space<hbm>>) target(%dma_start3A_92 : memref<8x768xf32, #tpu.memory_space<vmem>>) target_semaphore(%arg12 : memref<!tpu.dma_semaphore, #tpu.memory_space<semaphore_mem>>)
      %dma_wait3A = arith.constant 0 : i32
      %dma_wait3A_96 = arith.constant 0 : i32
      %dma_wait3A_97 = arith.constant 0 : i32
      %dma_wait3A_98 = tpu.memref_slice %arg4[%dma_wait3A, %dma_wait3A_96, %dma_wait3A_97] : memref<8x784x128xi32, #tpu.memory_space<hbm>> -> memref<1x8x128xi32, #tpu.memory_space<hbm>>
      %dma_wait3A_99 = tpu.memref_squeeze %dma_wait3A_98 : memref<1x8x128xi32, #tpu.memory_space<hbm>> -> memref<8x128xi32, #tpu.memory_space<hbm>>
      %dma_wait3A_100 = arith.constant 0 : i32
      %dma_wait3A_101 = arith.constant 0 : i32
      %dma_wait3A_102 = tpu.memref_slice %arg4[%dma_wait3A, %dma_wait3A_100, %dma_wait3A_101] : memref<8x784x128xi32, #tpu.memory_space<hbm>> -> memref<1x8x128xi32, #tpu.memory_space<hbm>>
      %dma_wait3A_103 = tpu.memref_squeeze %dma_wait3A_102 : memref<1x8x128xi32, #tpu.memory_space<hbm>> -> memref<8x128xi32, #tpu.memory_space<hbm>>
      tpu.wait_dma2 semaphore(%arg11 : memref<!tpu.dma_semaphore, #tpu.memory_space<semaphore_mem>>) src(%dma_wait3A_103 : memref<8x128xi32, #tpu.memory_space<hbm>>) dst(%arg7 : memref<8x128xi32, #tpu.memory_space<vmem>>)
      %dma_wait3A_104 = arith.constant 0 : i32
      %dma_wait3A_105 = arith.constant 0 : i32
      %dma_wait3A_106 = arith.constant 0 : i32
      %dma_wait3A_107 = tpu.memref_slice %arg8[%dma_wait3A_105, %dma_wait3A_106] : memref<8x1024xf32, #tpu.memory_space<vmem>> -> memref<8x1024xf32, #tpu.memory_space<vmem>>
      %dma_wait3A_108 = arith.constant 0 : i32
      %dma_wait3A_109 = arith.constant 0 : i32
      %dma_wait3A_110 = tpu.memref_slice %arg2[%dma_wait3A_104, %dma_wait3A_108, %dma_wait3A_109] : memref<8x64x100000xf32, #tpu.memory_space<hbm>> -> memref<1x8x1024xf32, #tpu.memory_space<hbm>>
      %dma_wait3A_111 = tpu.memref_squeeze %dma_wait3A_110 : memref<1x8x1024xf32, #tpu.memory_space<hbm>> -> memref<8x1024xf32, #tpu.memory_space<hbm>>
      %dma_wait3A_112 = arith.constant 0 : i32
      %dma_wait3A_113 = arith.constant 0 : i32
      %dma_wait3A_114 = tpu.memref_slice %arg8[%dma_wait3A_112, %dma_wait3A_113] : memref<8x1024xf32, #tpu.memory_space<vmem>> -> memref<8x1024xf32, #tpu.memory_space<vmem>>
      %dma_wait3A_115 = arith.constant 0 : i32
      %dma_wait3A_116 = arith.constant 0 : i32
      %dma_wait3A_117 = tpu.memref_slice %arg2[%dma_wait3A_104, %dma_wait3A_115, %dma_wait3A_116] : memref<8x64x100000xf32, #tpu.memory_space<hbm>> -> memref<1x8x1024xf32, #tpu.memory_space<hbm>>
      %dma_wait3A_118 = tpu.memref_squeeze %dma_wait3A_117 : memref<1x8x1024xf32, #tpu.memory_space<hbm>> -> memref<8x1024xf32, #tpu.memory_space<hbm>>
      tpu.wait_dma2 semaphore(%arg11 : memref<!tpu.dma_semaphore, #tpu.memory_space<semaphore_mem>>) src(%dma_wait3A_118 : memref<8x1024xf32, #tpu.memory_space<hbm>>) dst(%dma_wait3A_114 : memref<8x1024xf32, #tpu.memory_space<vmem>>)
      %parallel_loop3A_119 = arith.constant 0 : i32
      %parallel_loop3A_120 = arith.constant 1024 : i32
      %parallel_loop3A_121 = arith.constant 16 : i32
      scf.for %parallel_loop3A_162 = %parallel_loop3A_119 to %parallel_loop3A_120 step %parallel_loop3A_121  : i32 {
        %parallel_loop3A_163 = arith.constant 128 : i32
        %parallel_loop3A_164 = arith.divsi %parallel_loop3A_162, %parallel_loop3A_163 : i32
        %parallel_loop3A_165 = arith.constant 0 : i32
        %parallel_loop3A_166 = arith.cmpi sgt, %parallel_loop3A_162, %parallel_loop3A_165 : i32
        %parallel_loop3A_167 = arith.extui %parallel_loop3A_166 : i1 to i32
        %parallel_loop3A_168 = arith.constant 0 : i32
        %parallel_loop3A_169 = arith.cmpi slt, %parallel_loop3A_162, %parallel_loop3A_168 : i32
        %parallel_loop3A_170 = arith.extui %parallel_loop3A_169 : i1 to i32
        %parallel_loop3A_171 = arith.subi %parallel_loop3A_167, %parallel_loop3A_170 : i32
        %parallel_loop3A_172 = arith.constant 0 : i32
        %parallel_loop3A_173 = arith.cmpi sgt, %parallel_loop3A_163, %parallel_loop3A_172 : i32
        %parallel_loop3A_174 = arith.extui %parallel_loop3A_173 : i1 to i32
        %parallel_loop3A_175 = arith.constant 0 : i32
        %parallel_loop3A_176 = arith.cmpi slt, %parallel_loop3A_163, %parallel_loop3A_175 : i32
        %parallel_loop3A_177 = arith.extui %parallel_loop3A_176 : i1 to i32
        %parallel_loop3A_178 = arith.subi %parallel_loop3A_174, %parallel_loop3A_177 : i32
        %parallel_loop3A_179 = arith.cmpi ne, %parallel_loop3A_171, %parallel_loop3A_178 : i32
        %parallel_loop3A_180 = arith.remsi %parallel_loop3A_162, %parallel_loop3A_163 : i32
        %parallel_loop3A_181 = arith.constant 0 : i32
        %parallel_loop3A_182 = arith.cmpi ne, %parallel_loop3A_180, %parallel_loop3A_181 : i32
        %parallel_loop3A_183 = arith.andi %parallel_loop3A_179, %parallel_loop3A_182 : i1
        %parallel_loop3A_184 = arith.constant 1 : i32
        %parallel_loop3A_185 = arith.subi %parallel_loop3A_164, %parallel_loop3A_184 : i32
        %parallel_loop3A_186 = arith.select %parallel_loop3A_183, %parallel_loop3A_185, %parallel_loop3A_164 : i32
        %parallel_loop3A_187 = arith.constant 128 : i32
        %parallel_loop3A_188 = arith.constant 0 : i32
        %parallel_loop3A_189 = arith.cmpi eq, %parallel_loop3A_187, %parallel_loop3A_188 : i32
        %parallel_loop3A_190 = arith.constant 1 : i32
        %parallel_loop3A_191 = arith.select %parallel_loop3A_189, %parallel_loop3A_190, %parallel_loop3A_187 : i32
        %parallel_loop3A_192 = arith.remsi %parallel_loop3A_162, %parallel_loop3A_191 : i32
        %parallel_loop3A_193 = arith.constant 0 : i32
        %parallel_loop3A_194 = arith.cmpi ne, %parallel_loop3A_192, %parallel_loop3A_193 : i32
        %parallel_loop3A_195 = arith.constant 0 : i32
        %parallel_loop3A_196 = arith.cmpi slt, %parallel_loop3A_192, %parallel_loop3A_195 : i32
        %parallel_loop3A_197 = arith.constant 0 : i32
        %parallel_loop3A_198 = arith.cmpi slt, %parallel_loop3A_191, %parallel_loop3A_197 : i32
        %parallel_loop3A_199 = arith.xori %parallel_loop3A_196, %parallel_loop3A_198 : i1
        %parallel_loop3A_200 = arith.andi %parallel_loop3A_199, %parallel_loop3A_194 : i1
        %parallel_loop3A_201 = arith.addi %parallel_loop3A_192, %parallel_loop3A_191 : i32
        %parallel_loop3A_202 = arith.select %parallel_loop3A_200, %parallel_loop3A_201, %parallel_loop3A_192 : i32
        %parallel_loop3A_203 = arith.index_cast %parallel_loop3A_186 : i32 to index
        %parallel_loop3A_204 = arith.index_cast %parallel_loop3A_202 : i32 to index
        %parallel_loop3A_205 = tpu.vector_load %arg7[%parallel_loop3A_203, %parallel_loop3A_204] {strides = array<i32>} : memref<8x128xi32, #tpu.memory_space<vmem>>, vector<16xi32>,
        %parallel_loop3A_206 = arith.index_cast %select_n3A_34 : i32 to index
        %parallel_loop3A_207 = arith.index_cast %parallel_loop3A_162 : i32 to index
        %parallel_loop3A_208 = tpu.vector_load %arg8[%parallel_loop3A_206, %parallel_loop3A_207] {strides = array<i32>} : memref<8x1024xf32, #tpu.memory_space<vmem>>, vector<16xf32>,
        %parallel_loop3A_209 = arith.index_cast %add3A_36 : i32 to index
        %parallel_loop3A_210 = arith.index_cast %parallel_loop3A_162 : i32 to index
        %parallel_loop3A_211 = tpu.vector_load %arg8[%parallel_loop3A_209, %parallel_loop3A_210] {strides = array<i32>} : memref<8x1024xf32, #tpu.memory_space<vmem>>, vector<16xf32>,
        tpu.vector_store_idx %arg6[%parallel_loop3A_205], %parallel_loop3A_208 {add = true} : memref<98304xf32, #tpu.memory_space<vmem>>[vector<16xi32>], vector<16xf32>,
        %parallel_loop3A_212 = arith.constant 32768 : i32
        %parallel_loop3A_213 = vector.broadcast %parallel_loop3A_212 : i32 to vector<16xi32>
        %parallel_loop3A_214 = arith.addi %parallel_loop3A_205, %parallel_loop3A_213 : vector<16xi32>
        tpu.vector_store_idx %arg6[%parallel_loop3A_214], %parallel_loop3A_211 {add = true} : memref<98304xf32, #tpu.memory_space<vmem>>[vector<16xi32>], vector<16xf32>,
        %parallel_loop3A_215 = arith.constant 65536 : i32
        %parallel_loop3A_216 = vector.broadcast %parallel_loop3A_215 : i32 to vector<16xi32>
        %parallel_loop3A_217 = arith.addi %parallel_loop3A_205, %parallel_loop3A_216 : vector<16xi32>
        tpu.vector_store_idx %arg6[%parallel_loop3A_217], %broadcast_in_dim3A_40 {add = true} : memref<98304xf32, #tpu.memory_space<vmem>>[vector<16xi32>], vector<16xf32>,
      } {sc.loop_unroll_factor = 4 : i64, sc.parallel_access}
      %dma_wait3A_122 = arith.constant 0 : i32
      %dma_wait3A_123 = arith.constant 0 : i32
      %dma_wait3A_124 = arith.constant 0 : i32
      %dma_wait3A_125 = tpu.memref_slice %arg4[%dma_wait3A_122, %dma_wait3A_123, %dma_wait3A_124] : memref<8x784x128xi32, #tpu.memory_space<hbm>> -> memref<1x8x128xi32, #tpu.memory_space<hbm>>
      %dma_wait3A_126 = tpu.memref_squeeze %dma_wait3A_125 : memref<1x8x128xi32, #tpu.memory_space<hbm>> -> memref<8x128xi32, #tpu.memory_space<hbm>>
      %dma_wait3A_127 = arith.constant 0 : i32
      %dma_wait3A_128 = arith.constant 0 : i32
      %dma_wait3A_129 = tpu.memref_slice %arg4[%dma_wait3A_122, %dma_wait3A_127, %dma_wait3A_128] : memref<8x784x128xi32, #tpu.memory_space<hbm>> -> memref<1x8x128xi32, #tpu.memory_space<hbm>>
      %dma_wait3A_130 = tpu.memref_squeeze %dma_wait3A_129 : memref<1x8x128xi32, #tpu.memory_space<hbm>> -> memref<8x128xi32, #tpu.memory_space<hbm>>
      tpu.wait_dma2 semaphore(%arg12 : memref<!tpu.dma_semaphore, #tpu.memory_space<semaphore_mem>>) src(%dma_wait3A_130 : memref<8x128xi32, #tpu.memory_space<hbm>>) dst(%arg9 : memref<8x128xi32, #tpu.memory_space<vmem>>)
      %dma_wait3A_131 = arith.constant 0 : i32
      %dma_wait3A_132 = arith.constant 0 : i32
      %dma_wait3A_133 = arith.constant 0 : i32
      %dma_wait3A_134 = tpu.memref_slice %arg10[%dma_wait3A_132, %dma_wait3A_133] : memref<8x1024xf32, #tpu.memory_space<vmem>> -> memref<8x768xf32, #tpu.memory_space<vmem>>
      %dma_wait3A_135 = arith.constant 0 : i32
      %dma_wait3A_136 = arith.constant 0 : i32
      %dma_wait3A_137 = tpu.memref_slice %arg3[%dma_wait3A_131, %dma_wait3A_135, %dma_wait3A_136] : memref<8x64x768xf32, #tpu.memory_space<hbm>> -> memref<1x8x768xf32, #tpu.memory_space<hbm>>
      %dma_wait3A_138 = tpu.memref_squeeze %dma_wait3A_137 : memref<1x8x768xf32, #tpu.memory_space<hbm>> -> memref<8x768xf32, #tpu.memory_space<hbm>>
      %dma_wait3A_139 = arith.constant 0 : i32
      %dma_wait3A_140 = arith.constant 0 : i32
      %dma_wait3A_141 = tpu.memref_slice %arg10[%dma_wait3A_139, %dma_wait3A_140] : memref<8x1024xf32, #tpu.memory_space<vmem>> -> memref<8x768xf32, #tpu.memory_space<vmem>>
      %dma_wait3A_142 = arith.constant 0 : i32
      %dma_wait3A_143 = arith.constant 0 : i32
      %dma_wait3A_144 = tpu.memref_slice %arg3[%dma_wait3A_131, %dma_wait3A_142, %dma_wait3A_143] : memref<8x64x768xf32, #tpu.memory_space<hbm>> -> memref<1x8x768xf32, #tpu.memory_space<hbm>>
      %dma_wait3A_145 = tpu.memref_squeeze %dma_wait3A_144 : memref<1x8x768xf32, #tpu.memory_space<hbm>> -> memref<8x768xf32, #tpu.memory_space<hbm>>
      tpu.wait_dma2 semaphore(%arg12 : memref<!tpu.dma_semaphore, #tpu.memory_space<semaphore_mem>>) src(%dma_wait3A_145 : memref<8x768xf32, #tpu.memory_space<hbm>>) dst(%dma_wait3A_141 : memref<8x768xf32, #tpu.memory_space<vmem>>)
      %parallel_loop3A_146 = arith.constant 0 : i32
      %parallel_loop3A_147 = arith.constant 672 : i32
      %parallel_loop3A_148 = arith.constant 16 : i32
      scf.for %parallel_loop3A_162 = %parallel_loop3A_146 to %parallel_loop3A_147 step %parallel_loop3A_148  : i32 {
        %parallel_loop3A_163 = arith.constant 128 : i32
        %parallel_loop3A_164 = arith.divsi %parallel_loop3A_162, %parallel_loop3A_163 : i32
        %parallel_loop3A_165 = arith.constant 0 : i32
        %parallel_loop3A_166 = arith.cmpi sgt, %parallel_loop3A_162, %parallel_loop3A_165 : i32
        %parallel_loop3A_167 = arith.extui %parallel_loop3A_166 : i1 to i32
        %parallel_loop3A_168 = arith.constant 0 : i32
        %parallel_loop3A_169 = arith.cmpi slt, %parallel_loop3A_162, %parallel_loop3A_168 : i32
        %parallel_loop3A_170 = arith.extui %parallel_loop3A_169 : i1 to i32
        %parallel_loop3A_171 = arith.subi %parallel_loop3A_167, %parallel_loop3A_170 : i32
        %parallel_loop3A_172 = arith.constant 0 : i32
        %parallel_loop3A_173 = arith.cmpi sgt, %parallel_loop3A_163, %parallel_loop3A_172 : i32
        %parallel_loop3A_174 = arith.extui %parallel_loop3A_173 : i1 to i32
        %parallel_loop3A_175 = arith.constant 0 : i32
        %parallel_loop3A_176 = arith.cmpi slt, %parallel_loop3A_163, %parallel_loop3A_175 : i32
        %parallel_loop3A_177 = arith.extui %parallel_loop3A_176 : i1 to i32
        %parallel_loop3A_178 = arith.subi %parallel_loop3A_174, %parallel_loop3A_177 : i32
        %parallel_loop3A_179 = arith.cmpi ne, %parallel_loop3A_171, %parallel_loop3A_178 : i32
        %parallel_loop3A_180 = arith.remsi %parallel_loop3A_162, %parallel_loop3A_163 : i32
        %parallel_loop3A_181 = arith.constant 0 : i32
        %parallel_loop3A_182 = arith.cmpi ne, %parallel_loop3A_180, %parallel_loop3A_181 : i32
        %parallel_loop3A_183 = arith.andi %parallel_loop3A_179, %parallel_loop3A_182 : i1
        %parallel_loop3A_184 = arith.constant 1 : i32
        %parallel_loop3A_185 = arith.subi %parallel_loop3A_164, %parallel_loop3A_184 : i32
        %parallel_loop3A_186 = arith.select %parallel_loop3A_183, %parallel_loop3A_185, %parallel_loop3A_164 : i32
        %parallel_loop3A_187 = arith.constant 128 : i32
        %parallel_loop3A_188 = arith.constant 0 : i32
        %parallel_loop3A_189 = arith.cmpi eq, %parallel_loop3A_187, %parallel_loop3A_188 : i32
        %parallel_loop3A_190 = arith.constant 1 : i32
        %parallel_loop3A_191 = arith.select %parallel_loop3A_189, %parallel_loop3A_190, %parallel_loop3A_187 : i32
        %parallel_loop3A_192 = arith.remsi %parallel_loop3A_162, %parallel_loop3A_191 : i32
        %parallel_loop3A_193 = arith.constant 0 : i32
        %parallel_loop3A_194 = arith.cmpi ne, %parallel_loop3A_192, %parallel_loop3A_193 : i32
        %parallel_loop3A_195 = arith.constant 0 : i32
        %parallel_loop3A_196 = arith.cmpi slt, %parallel_loop3A_192, %parallel_loop3A_195 : i32
        %parallel_loop3A_197 = arith.constant 0 : i32
        %parallel_loop3A_198 = arith.cmpi slt, %parallel_loop3A_191, %parallel_loop3A_197 : i32
        %parallel_loop3A_199 = arith.xori %parallel_loop3A_196, %parallel_loop3A_198 : i1
        %parallel_loop3A_200 = arith.andi %parallel_loop3A_199, %parallel_loop3A_194 : i1
        %parallel_loop3A_201 = arith.addi %parallel_loop3A_192, %parallel_loop3A_191 : i32
        %parallel_loop3A_202 = arith.select %parallel_loop3A_200, %parallel_loop3A_201, %parallel_loop3A_192 : i32
        %parallel_loop3A_203 = arith.index_cast %parallel_loop3A_186 : i32 to index
        %parallel_loop3A_204 = arith.index_cast %parallel_loop3A_202 : i32 to index
        %parallel_loop3A_205 = tpu.vector_load %arg9[%parallel_loop3A_203, %parallel_loop3A_204] {strides = array<i32>} : memref<8x128xi32, #tpu.memory_space<vmem>>, vector<16xi32>,
        %parallel_loop3A_206 = arith.index_cast %select_n3A_34 : i32 to index
        %parallel_loop3A_207 = arith.index_cast %parallel_loop3A_162 : i32 to index
        %parallel_loop3A_208 = tpu.vector_load %arg10[%parallel_loop3A_206, %parallel_loop3A_207] {strides = array<i32>} : memref<8x1024xf32, #tpu.memory_space<vmem>>, vector<16xf32>,
        %parallel_loop3A_209 = arith.index_cast %add3A_36 : i32 to index
        %parallel_loop3A_210 = arith.index_cast %parallel_loop3A_162 : i32 to index
        %parallel_loop3A_211 = tpu.vector_load %arg10[%parallel_loop3A_209, %parallel_loop3A_210] {strides = array<i32>} : memref<8x1024xf32, #tpu.memory_space<vmem>>, vector<16xf32>,
        tpu.vector_store_idx %arg6[%parallel_loop3A_205], %parallel_loop3A_208 {add = true} : memref<98304xf32, #tpu.memory_space<vmem>>[vector<16xi32>], vector<16xf32>,
        %parallel_loop3A_212 = arith.constant 32768 : i32
        %parallel_loop3A_213 = vector.broadcast %parallel_loop3A_212 : i32 to vector<16xi32>
        %parallel_loop3A_214 = arith.addi %parallel_loop3A_205, %parallel_loop3A_213 : vector<16xi32>
        tpu.vector_store_idx %arg6[%parallel_loop3A_214], %parallel_loop3A_211 {add = true} : memref<98304xf32, #tpu.memory_space<vmem>>[vector<16xi32>], vector<16xf32>,
        %parallel_loop3A_215 = arith.constant 65536 : i32
        %parallel_loop3A_216 = vector.broadcast %parallel_loop3A_215 : i32 to vector<16xi32>
        %parallel_loop3A_217 = arith.addi %parallel_loop3A_205, %parallel_loop3A_216 : vector<16xi32>
        tpu.vector_store_idx %arg6[%parallel_loop3A_217], %broadcast_in_dim3A_40 {add = true} : memref<98304xf32, #tpu.memory_space<vmem>>[vector<16xi32>], vector<16xf32>,
      } {sc.loop_unroll_factor = 4 : i64, sc.parallel_access}
      %parallel_loop3A_149 = arith.constant 0 : i32
      %parallel_loop3A_150 = arith.constant 32768 : i32
      %parallel_loop3A_151 = arith.constant 16 : i32
      scf.for %parallel_loop3A_162 = %parallel_loop3A_149 to %parallel_loop3A_150 step %parallel_loop3A_151  : i32 {
        %parallel_loop3A_163 = arith.constant 65536 : i32
        %parallel_loop3A_164 = arith.addi %parallel_loop3A_163, %parallel_loop3A_162 : i32
        %parallel_loop3A_165 = arith.index_cast %parallel_loop3A_164 : i32 to index
        %parallel_loop3A_166 = tpu.vector_load %arg6[%parallel_loop3A_165] {strides = array<i32>} : memref<98304xf32, #tpu.memory_space<vmem>>, vector<16xf32>,
        %parallel_loop3A_167 = arith.constant 1.000000e+00 : f32
        %parallel_loop3A_168 = vector.broadcast %parallel_loop3A_167 : f32 to vector<16xf32>
        %parallel_loop3A_169 = arith.maximumf %parallel_loop3A_166, %parallel_loop3A_168 : vector<16xf32>
        %parallel_loop3A_170 = arith.index_cast %parallel_loop3A_162 : i32 to index
        %parallel_loop3A_171 = tpu.vector_load %arg6[%parallel_loop3A_170] {strides = array<i32>} : memref<98304xf32, #tpu.memory_space<vmem>>, vector<16xf32>,
        %parallel_loop3A_172 = arith.divf %parallel_loop3A_171, %parallel_loop3A_169 : vector<16xf32>
        %parallel_loop3A_173 = arith.index_cast %parallel_loop3A_162 : i32 to index
        %parallel_loop3A_174 = tpu.vector_load %arg6[%parallel_loop3A_173] {strides = array<i32>} : memref<98304xf32, #tpu.memory_space<vmem>>, vector<16xf32>,
        tpu.vector_store %arg6[%parallel_loop3A_173], %parallel_loop3A_172 {strides = array<i32>} : memref<98304xf32, #tpu.memory_space<vmem>>, vector<16xf32>,
        %parallel_loop3A_175 = arith.constant 32768 : i32
        %parallel_loop3A_176 = arith.addi %parallel_loop3A_175, %parallel_loop3A_162 : i32
        %parallel_loop3A_177 = arith.index_cast %parallel_loop3A_176 : i32 to index
        %parallel_loop3A_178 = tpu.vector_load %arg6[%parallel_loop3A_177] {strides = array<i32>} : memref<98304xf32, #tpu.memory_space<vmem>>, vector<16xf32>,
        %parallel_loop3A_179 = arith.divf %parallel_loop3A_178, %parallel_loop3A_169 : vector<16xf32>
        %parallel_loop3A_180 = arith.constant 32768 : i32
        %parallel_loop3A_181 = arith.addi %parallel_loop3A_180, %parallel_loop3A_162 : i32
        %parallel_loop3A_182 = arith.index_cast %parallel_loop3A_181 : i32 to index
        %parallel_loop3A_183 = tpu.vector_load %arg6[%parallel_loop3A_182] {strides = array<i32>} : memref<98304xf32, #tpu.memory_space<vmem>>, vector<16xf32>,
        tpu.vector_store %arg6[%parallel_loop3A_182], %parallel_loop3A_179 {strides = array<i32>} : memref<98304xf32, #tpu.memory_space<vmem>>, vector<16xf32>,
      } {sc.loop_unroll_factor = 4 : i64, sc.parallel_access}
      %mul3A_152 = arith.constant 64 : i32
      %mul3A_153 = arith.muli %add3A_49, %mul3A_152 : i32
      %add3A_154 = arith.addi %mul3A_153, %add3A_37 : i32
      %mul3A_155 = arith.constant 32768 : i32
      %mul3A_156 = arith.muli %add3A_154, %mul3A_155 : i32
      "tpu.region"() ({
        %run_scoped3A = tpu.sem_alloc : memref<!tpu.dma_semaphore, #tpu.memory_space<semaphore_mem>>
        %dma_start3A_162 = arith.constant 0 : i32
        %dma_start3A_163 = tpu.memref_slice %arg6[%dma_start3A_162] : memref<98304xf32, #tpu.memory_space<vmem>> -> memref<32768xf32, #tpu.memory_space<vmem>>
        %dma_start3A_164 = tpu.memref_slice %arg5[%mul3A_156] : memref<16777216xf32, #tpu.memory_space<hbm>> -> memref<32768xf32, #tpu.memory_space<hbm>>
        %dma_start3A_165 = tpu.memref_slice %arg5[%mul3A_156] : memref<16777216xf32, #tpu.memory_space<hbm>> -> memref<32768xf32, #tpu.memory_space<hbm>>
        %dma_start3A_166 = arith.constant 0 : i32
        %dma_start3A_167 = tpu.memref_slice %arg6[%dma_start3A_166] : memref<98304xf32, #tpu.memory_space<vmem>> -> memref<32768xf32, #tpu.memory_space<vmem>>
        tpu.enqueue_dma source(%dma_start3A_167 : memref<32768xf32, #tpu.memory_space<vmem>>) target(%dma_start3A_165 : memref<32768xf32, #tpu.memory_space<hbm>>) target_semaphore(%run_scoped3A : memref<!tpu.dma_semaphore, #tpu.memory_space<semaphore_mem>>)
        %dma_wait3A_168 = arith.constant 0 : i32
        %dma_wait3A_169 = tpu.memref_slice %arg6[%dma_wait3A_168] : memref<98304xf32, #tpu.memory_space<vmem>> -> memref<32768xf32, #tpu.memory_space<vmem>>
        %dma_wait3A_170 = tpu.memref_slice %arg5[%mul3A_156] : memref<16777216xf32, #tpu.memory_space<hbm>> -> memref<32768xf32, #tpu.memory_space<hbm>>
        %dma_wait3A_171 = tpu.memref_slice %arg5[%mul3A_156] : memref<16777216xf32, #tpu.memory_space<hbm>> -> memref<32768xf32, #tpu.memory_space<hbm>>
        %dma_wait3A_172 = arith.constant 0 : i32
        %dma_wait3A_173 = tpu.memref_slice %arg6[%dma_wait3A_172] : memref<98304xf32, #tpu.memory_space<vmem>> -> memref<32768xf32, #tpu.memory_space<vmem>>
        tpu.wait_dma2 semaphore(%run_scoped3A : memref<!tpu.dma_semaphore, #tpu.memory_space<semaphore_mem>>) src(%dma_wait3A_173 : memref<32768xf32, #tpu.memory_space<vmem>>) dst(%dma_wait3A_171 : memref<32768xf32, #tpu.memory_space<hbm>>)
        tpu.yield
      }) : () -> ()
      %mul3A_157 = arith.constant 64 : i32
      %mul3A_158 = arith.muli %add3A_49, %mul3A_157 : i32
      %add3A_159 = arith.addi %mul3A_158, %add3A_39 : i32
      %mul3A_160 = arith.constant 32768 : i32
      %mul3A_161 = arith.muli %add3A_159, %mul3A_160 : i32
      "tpu.region"() ({
        %run_scoped3A = tpu.sem_alloc : memref<!tpu.dma_semaphore, #tpu.memory_space<semaphore_mem>>
        %dma_start3A_162 = arith.constant 32768 : i32
        %dma_start3A_163 = tpu.memref_slice %arg6[%dma_start3A_162] : memref<98304xf32, #tpu.memory_space<vmem>> -> memref<32768xf32, #tpu.memory_space<vmem>>
        %dma_start3A_164 = tpu.memref_slice %arg5[%mul3A_161] : memref<16777216xf32, #tpu.memory_space<hbm>> -> memref<32768xf32, #tpu.memory_space<hbm>>
        %dma_start3A_165 = tpu.memref_slice %arg5[%mul3A_161] : memref<16777216xf32, #tpu.memory_space<hbm>> -> memref<32768xf32, #tpu.memory_space<hbm>>
        %dma_start3A_166 = arith.constant 32768 : i32
        %dma_start3A_167 = tpu.memref_slice %arg6[%dma_start3A_166] : memref<98304xf32, #tpu.memory_space<vmem>> -> memref<32768xf32, #tpu.memory_space<vmem>>
        tpu.enqueue_dma source(%dma_start3A_167 : memref<32768xf32, #tpu.memory_space<vmem>>) target(%dma_start3A_165 : memref<32768xf32, #tpu.memory_space<hbm>>) target_semaphore(%run_scoped3A : memref<!tpu.dma_semaphore, #tpu.memory_space<semaphore_mem>>)
        %dma_wait3A_168 = arith.constant 32768 : i32
        %dma_wait3A_169 = tpu.memref_slice %arg6[%dma_wait3A_168] : memref<98304xf32, #tpu.memory_space<vmem>> -> memref<32768xf32, #tpu.memory_space<vmem>>
        %dma_wait3A_170 = tpu.memref_slice %arg5[%mul3A_161] : memref<16777216xf32, #tpu.memory_space<hbm>> -> memref<32768xf32, #tpu.memory_space<hbm>>
        %dma_wait3A_171 = tpu.memref_slice %arg5[%mul3A_161] : memref<16777216xf32, #tpu.memory_space<hbm>> -> memref<32768xf32, #tpu.memory_space<hbm>>
        %dma_wait3A_172 = arith.constant 32768 : i32
        %dma_wait3A_173 = tpu.memref_slice %arg6[%dma_wait3A_172] : memref<98304xf32, #tpu.memory_space<vmem>> -> memref<32768xf32, #tpu.memory_space<vmem>>
        tpu.wait_dma2 semaphore(%run_scoped3A : memref<!tpu.dma_semaphore, #tpu.memory_space<semaphore_mem>>) src(%dma_wait3A_173 : memref<32768xf32, #tpu.memory_space<vmem>>) dst(%dma_wait3A_171 : memref<32768xf32, #tpu.memory_space<hbm>>)
        tpu.yield
      }) : () -> ()
    }
    %scan3A_44 = arith.constant 8 : i32
    return
  }
}

</mosaic_0001>

<sc_bundles>
// kernel: kernel.3.cloned.1.call-start
scs
__scs_entry_jumppad:
0x0: {  	(pc) =	sbr.rel $0x88, $3  }
0x1: {  	(tag) =	ssettag $0x0;
	lr =	simm.s32 $0x1  }
0x2: {  	[smem:$0x3F9F] =	sst lr;
	_ =	strace $0xD0000000  }
0x3: {  	_ = 	snop  }
0x4: {  	_ = 	snop  }
0x5: {  	_ = 	snop  }
0x6: {  	_ = 	snop  }
0x7: {  	_ = 	snop  }
__scs_overlays_trampoline_lowered:
0x8: {  	[smem:$0x3FAE] =	sst s0  }
0x9: {  	[smem:$0x3FAF] =	sst s1  }
0xa: {  	[smem:$0x3FB0] =	sst s2  }
0xb: {  	[smem:$0x3FB1] =	sst s3  }
0xc: {  	[smem:$0x3FB2] =	sst s4  }
0xd: {  	[smem:$0x3FB3] =	sst s5  }
0xe: {  	[smem:$0x3FB4] =	sst s6  }
0xf: {  	[smem:$0x3FB5] =	sst s7  }
0x10: {  	[smem:$0x3FB6] =	sst s8  }
0x11: {  	[smem:$0x3FB7] =	sst s9;
	s0 =	simm.s32 @!p0 $0x0  }
0x12: {  	s1 =	sld [smem:$0x3F9D];
	s0 =	simm.s32 @p0 $0x1  }
0x13: {  	[smem:$0x3FB8] =	sst s0;
	s0 =	simm.s32 @!p1 $0x0  }
0x14: {  	s2 =	sld [smem:$0x3F9C];
	s0 =	simm.s32 @p1 $0x1  }
0x15: {  	[smem:$0x3FB9] =	sst s0;
	s0 =	simm.s32 @!p2 $0x0  }
0x16: {  	s3 =	sld [smem:$0x3FDB];
	s0 =	simm.s32 @p2 $0x1  }
0x17: {  	s4 =	simm.s32 $0x1BF5;
	[smem:$0x3FBB] =	sst s0  }
0x18: {  	s0 =	sld [smem:$0x3F9E];
	_ =	swait.ge [sflag:s4], $0x0  }
0x19: {  	s7 =	sld [smem:$0x3F9F]  }
0x1a: {  	s8 =	sadd.s32 $0xFFFFE003, lr  }
0x1b: {  	s9 =	sadd.s32 $0xFFFFFEF7, lr;
	s5 =	simm.s32 $0xFFFFFFFF;
	p2 =	slt.u32 s8, $0xFFFFF086  }
0x1c: {  	p1 =	slt.u32 s9, $0xF7A;
	s5 =	simm.s32 @!p2 $0x0  }
0x1d: {  	s5 =	simm.s32 @p1 $0x1;
	p0 =	seq.s32 s7, s2  }
0x1e: {  	s7 =	smul.u32 @!p0 $0xF7A, s2;
	p2 =	seq.s32 @!p0 s5, $0x0  }
0x1f: {  	s9 =	smul.u32 $0xF7A, s1;
	s8 =	simm.s32 @!p0 $0x1BF5;
	p2 =	por !p2, p0  }
0x20: {  	[sflag:s8] =	ssyncset.s32 @!p0 $0xFFFFF086;
	s6 =	sadd.s32 @!p0 s3, s7;
	s7 =	simm.s32 @!p0 $0x108  }
0x21: {  	s3 =	sadd.s32 s3, s9;
	s6 =	sadd.s32 @!p0 $0x88, s6;
	s7 =	simm.s32 @p2 $0x1082  }
0x22: {  	[simem:s7], [sflag:s8] =	dma.local @!p0 [hbm:s6], $0xF7A  }
0x23: {  	s9 =	sor.u32 $0xD0000000, s2;
	s6 =	simm.s32 $0x108;
	_ =	swait.ge @!p0 [sflag:s8], $0x0  }
0x24: {  	s3 =	sadd.s32 $0x88, s3;
	s6 =	simm.s32 @!p1 $0x1082;
	[sflag:s4] =	ssyncset.s32 $0xFFFFF086  }
0x25: {  	[simem:s6], [sflag:s4] =	dma.local [hbm:s3], $0xF7A  }
0x26: {  	[smem:$0x3F9F] =	sst s1;
	(tag) =	ssettag s2;
	_ =	strace s9  }
0x27: {  	s1 =	sld [smem:$0x3FAF]  }
0x28: {  	s2 =	sld [smem:$0x3FB0]  }
0x29: {  	s4 =	sld [smem:$0x3FB2]  }
0x2a: {  	p0 =	seq.s32 s5, $0x0;
	s5 =	sld [smem:$0x3FB3]  }
0x2b: {  	s6 =	sld [smem:$0x3FB4]  }
0x2c: {  	s7 =	sld [smem:$0x3FB5]  }
0x2d: {  	s3 =	simm.s32 $0x108;
	s8 =	sld [smem:$0x3FB6]  }
0x2e: {  	s3 =	simm.s32 @!p0 $0x1082;
	s9 =	sld [smem:$0x3FB7]  }
0x2f: {  	lr =	sadd.s32 s0, s3;
	s0 =	sld [smem:$0x3FAE]  }
0x30: {  	s3 =	sld [smem:$0x3FB1]  }
0x31: {  	[smem:$0x3FBA] =	sst s10  }
0x32: {  	s10 =	sld [smem:$0x3FB8];
	_ =	sdelay $0x3  }
0x33: {  	p0 =	seq.s32 s10, $0x1;
	s10 =	sld [smem:$0x3FBA];
	_ =	sdelay $0x3  }
0x34: {  	[smem:$0x3FBA] =	sst s10  }
0x35: {  	s10 =	sld [smem:$0x3FB9];
	_ =	sdelay $0x3  }
0x36: {  	p1 =	seq.s32 s10, $0x1;
	s10 =	sld [smem:$0x3FBA];
	_ =	sdelay $0x3  }
0x37: {  	[smem:$0x3FBA] =	sst s10  }
0x38: {  	s10 =	sld [smem:$0x3FBB]  }
0x39: {  	_ = 	snop;
	(pc) =	sbr.ind lr, $3  }
0x3a: {  	_ = 	snop  }
0x3b: {  	_ = 	snop  }
0x3c: {  	p2 =	seq.s32 s10, $0x1;
	s10 =	sld [smem:$0x3FBA]  }
0x3d: {  	_ =	shalt  }
0x3e: {  	_ =	shalt  }
0x3f: {  	_ =	shalt  }
0x40: {  	_ =	shalt  }
0x41: {  	_ =	shalt  }
0x42: {  	_ =	shalt  }
0x43: {  	_ =	shalt  }
0x44: {  	_ =	shalt  }
0x45: {  	_ =	shalt  }
0x46: {  	_ =	shalt  }
0x47: {  	_ =	shalt  }
0x48: {  	_ =	shalt  }
0x49: {  	_ =	shalt  }
0x4a: {  	_ =	shalt  }
0x4b: {  	_ =	shalt  }
0x4c: {  	_ =	shalt  }
0x4d: {  	_ =	shalt  }
0x4e: {  	_ =	shalt  }
0x4f: {  	_ =	shalt  }
0x50: {  	_ =	shalt  }
0x51: {  	_ =	shalt  }
0x52: {  	_ =	shalt  }
0x53: {  	_ =	shalt  }
0x54: {  	_ =	shalt  }
0x55: {  	_ =	shalt  }
0x56: {  	_ =	shalt  }
0x57: {  	_ =	shalt  }
0x58: {  	_ =	shalt  }
0x59: {  	_ =	shalt  }
0x5a: {  	_ =	shalt  }
0x5b: {  	_ =	shalt  }
0x5c: {  	_ =	shalt  }
0x5d: {  	_ =	shalt  }
0x5e: {  	_ =	shalt  }
0x5f: {  	_ =	shalt  }
0x60: {  	_ =	shalt  }
0x61: {  	_ =	shalt  }
0x62: {  	_ =	shalt  }
0x63: {  	_ =	shalt  }
0x64: {  	_ =	shalt  }
0x65: {  	_ =	shalt  }
0x66: {  	_ =	shalt  }
0x67: {  	_ =	shalt  }
0x68: {  	_ =	shalt  }
0x69: {  	_ =	shalt  }
0x6a: {  	_ =	shalt  }
0x6b: {  	_ =	shalt  }
0x6c: {  	_ =	shalt  }
0x6d: {  	_ =	shalt  }
0x6e: {  	_ =	shalt  }
0x6f: {  	_ =	shalt  }
0x70: {  	_ =	shalt  }
0x71: {  	_ =	shalt  }
0x72: {  	_ =	shalt  }
0x73: {  	_ =	shalt  }
0x74: {  	_ =	shalt  }
0x75: {  	_ =	shalt  }
0x76: {  	_ =	shalt  }
0x77: {  	_ =	shalt  }
0x78: {  	_ =	shalt  }
0x79: {  	_ =	shalt  }
0x7a: {  	_ =	shalt  }
0x7b: {  	_ =	shalt  }
0x7c: {  	_ =	shalt  }
0x7d: {  	_ =	shalt  }
0x7e: {  	_ =	shalt  }
0x7f: {  	_ =	shalt  }
0x80: {  	_ =	shalt  }
0x81: {  	_ =	shalt  }
0x82: {  	_ =	shalt  }
0x83: {  	_ =	shalt  }
0x84: {  	_ =	shalt  }
0x85: {  	_ =	shalt  }
0x86: {  	_ =	shalt  }
0x87: {  	_ =	shalt  }
.Lfunc_end0:
.L_simem_size_0:
called_computation.1_lowered:
.L_overlay_start_0:
0x88: {  	s2 =	sld [smem:$0x3FD9]  }
0x89: {  	s3 =	sld [smem:$0x3FFE];
	_ =	sdelay $0x1  }
0x8a: {  	s1 =	srdreg.scid  }
0x8b: {  	s0 =	sand.u32 $0x1, s1  }
0x8c: {  	s14 =	sshll.u32 s0, $0xA;
	s2 =	sadd.s32 s3, s2  }
0x8d: {  	s2 =	sadd.s32 s2, s14  }
0x8e: {  	[smem:$0x3FC6] =	sst s2  }
0x8f: {  	_ = 	snop  }
0x90: {  	s2 =	sld [smem:$0x3FD0];
	_ =	sdelay $0x2  }
0x91: {  	s4 =	simm.s32 $0xA;
	s5 =	simm.s32 $0x10;
	s15 =	sld [smem:$0x3FC9]  }
0x92: {  	[smem:s5], [sflag:s4] =	dma.local [hbm:s2], $0x1  }
0x93: {  	_ =	swait.eq [sflag:s4], $0x1  }
0x94: {  	[sflag:s4] =	ssyncset.done $0x0  }
0x95: {  	[sflag:s4] =	ssyncadd.s32 $0xFFFFFFFF  }
0x96: {  	s16 =	sld [smem:$0x10];
	(tm) =	ssettm $0x1  }
0x97: {  	s17 =	sld [smem:$0x3FFB];
	_ =	sdelay $0x3  }
0x98: {  	_ =	strace s17  }
0x99: {  	s4 =	sld [smem:$0x3FFC];
	_ =	sdelay $0x3  }
0x9a: {  	_ =	strace s4  }
0x9b: {  	s4 =	sld [smem:$0x3FFD];
	_ =	sdelay $0x3  }
0x9c: {  	_ =	strace s4  }
0x9d: {  	_ =	strace $0x8FFFFFFF  }
0x9e: {  	s18 =	sld [smem:$0x3FDB];
	_ =	sdelay $0x1  }
0x9f: {  	s19 =	simm.s32 $_scs_section_size  }
0xa0: {  	s6 =	simm.s32 $_size__tile_overlayer_lowered;
	s7 =	simm.s32 $_tile_overlayer_lowered  }
0xa1: {  	s22 =	simm.s32 $0x1BFF;
	s21 =	sshll.u32 s7, $0x1;
	s4 =	sadd.s32 s19, s18  }
0xa2: {  	s8 =	simm.s32 $0x0;
	s20 =	sshll.u32 s6, $0x1;
	s6 =	sadd.s32 s21, s4  }
0xa3: {  	[timem:s8], [sflag:s22] =	dma.local [hbm:s6], s20  }
0xa4: {  	_ =	swait.ge [sflag:s22], s20  }
0xa5: {  	s5 =	ssub.s32 $0x0, s20;
	[sflag:s22] =	ssyncset.done $0x0  }
0xa6: {  	[sflag:s22] =	ssyncadd.s32 s5;
	_ =	sdelay $0x1  }
0xa7: {  	s23 =	simm.s32 $0x1B8B  }
0xa8: {  	_ =	swait.ge [sflag:s23], $0x1  }
0xa9: {  	[sflag:s23] =	ssyncset.done $0x0  }
0xaa: {  	s25 =	simm.s32 $0x1B8E;
	s24 =	sld [smem:$0x3FFE];
	[sflag:s23] =	ssyncadd.s32 $0xFFFFFFFF  }
0xab: {  	s26 =	simm.s32 $execute0_lowered;
	[smem:$0x3FD2] =	sst s25  }
0xac: {  	s6 =	sshll.u32 s26, $0x1;
	_ =	strace $0x80000046;
	[dreg:$0x1] =	wrdreg $0xFFFFFFFF  }
0xad: {  	s28 =	simm.s32 $_size_execute0_lowered;
	s4 =	sadd.s32 s4, s6;
	[dreg:$0x0] =	wrdreg $0x0  }
0xae: {  	s6 =	sshll.u32 s28, $0x1;
	[dreg:$0x2] =	wrdreg s4  }
0xaf: {  	[dreg:$0x3] =	wrdreg s6  }
0xb0: {  	[dreg:$0x4] =	wrdreg $0xC0  }
0xb1: {  	_ =	task [dreg:s8], $0x5FFFF  }
0xb2: {  	[dreg:$0x1] =	wrdreg $0xFFFFFFFF  }
0xb3: {  	[dreg:$0x0] =	wrdreg $0x60  }
0xb4: {  	[dreg:$0x2] =	wrdreg s15  }
0xb5: {  	[dreg:$0x3] =	wrdreg s24  }
0xb6: {  	[dreg:$0x4] =	wrdreg s16  }
0xb7: {  	[dreg:$0x5] =	wrdreg $0x9  }
0xb8: {  	_ =	task.clear_ibuf [dreg:s8], $0x6FFFF;
	_ =	strace $0x90000046  }
0xb9: {  	s29 =	simm.s32 $0x9;
	_ =	strace $0x80000048  }
0xba: {  	_ =	swait.ge [sflag:s29], $0x1  }
0xbb: {  	[sflag:s29] =	ssyncadd.s32 $0xFFFFFFFF  }
0xbc: {  	_ =	strace $0x90000048  }
0xbd: {  	_ =	sfence  }
0xbe: {  	s30 =	sld [smem:$0x0];
	_ =	sdelay $0x2  }
0xbf: {  	s31 =	sshll.u32 s1, $0xD;
	s1 =	sshrl.u32 s1, $0x2  }
0xc0: {  	s3 =	sand.u32 $0x4000, s31;
	s1 =	sadd.s32 s1, s30  }
0xc1: {  	s0 =	sor.u32 s3, s0;
	s1 =	sshll.u32 s1, $0x11  }
0xc2: {  	s0 =	sor.u32 s1, s0  }
0xc3: {  	s0 =	sadd.s32 $0x8F2B, s0  }
0xc4: {  	[sflag:s0] =	ssyncadd.remote.s32 $0x1  }
0xc5: {  	_ =	sfence.sel $0xFFFF  }
0xc6: {  	[dreg:$0x0] =	wrdreg $0xFFFFFFFF;
	(pc) =	sbr.abs _section_cstart, $3  }
0xc7: {  	[dreg:$0x1] =	wrdreg $0xFFFFFFFF  }
0xc8: {  	_ =	task.clear_ibuf [dreg:s8], $0x2FFFF;
	_ =	strace $0x9FFFFFFF  }
0xc9: {  	(tm) =	ssettm $0x7FFFFFFF  }
tec
execute0_lowered:
.L_overlay_start_1:
0x0: {  	(tag) =	ssettag $0x1  }
0x1: {  	s1 =	rddreg [dreg:$0x0]  }
0x2: {  	s3 =	rddreg [dreg:$0x1]  }
0x3: {  	s0 =	srdreg.scid;
	s4 =	simm.s32 $0x0;
	s9 =	stileid.u32  }
0x4: {  	s17 =	simm.s32 $0x1A400;
	s18 =	simm.s32 $0x1A800;
	s19 =	simm.s32 $0x1  }
0x5: {  	s20 =	simm.s32 $0x2;
	s0 =	sand.u32 $0x1, s0;
	[smem:$0x7FF] =	sst s4  }
0x6: {  	s6 =	sadd.s32 $0xC000, s3;
	s28 =	sshll.u32 s9, $0x2;
	s12 =	sshrl.u32 s9, $0x1  }
0x7: {  	s9 =	sand.u32 $0x1, s9;
	s2 =	ssub.s32 $0x2, s0;
	_ =	strace $0x80000047  }
0x8: {  	s7 =	sshll.u32 s0, $0x1;
	s8 =	sshll.u32 s12, $0x3;
	s10 =	sshll.u32 s9, $0xB  }
0x9: {  	s0 =	sshll.u32 s0, $0xA;
	s30 =	smul.u32 $0xC3800, s12;
	s5 =	sshrl.u32 s2, $0x1  }
0xa: {  	s31 =	smul.u32 $0x1800, s12;
	s0 =	sor.u32 s0, s10;
	s2 =	ssub.s32 s2, s5  }
0xb: {  	s5 =	sand.u32 $0x4, s28;
	[dreg:$0x6] =	wrdreg s30;
	s0 =	sshrl.u32 s0, $0x2  }
0xc: {  	[dreg:$0x7] =	wrdreg s31;
	s5 =	sor.u32 s7, s5;
	s2 =	smax.u32 s2, $0x1  }
0xd: {  	s14 =	sor.u32 $0x1A800, s0;
	s29 =	sor.u32 s8, s5;
	[dreg:$0x8] =	wrdreg s2  }
0xe: {  	s9 =	sshll.u32 s5, $0x9;
	[dreg:$0x4] =	wrdreg s29;
	s3 =	sor.u32 $0x1, s29  }
0xf: {  	v0 =	vimm.f32 $0.0e+00;
	v1 =	vimm.f32 $1.000000000e+00;
	s2 =	simm.s32 $0x0;
	s11 =	sor.u32 $0x200, s9;
	[dreg:$0x5] =	wrdreg s3  }
.LBB2_1:
0x10: {  	[dreg:$0x9] =	wrdreg s2;
	s24 =	simm.s32 $0x0  }
.LBB2_2:
0x11: {  	s28 =	smul.u32 $0x18800, s24  }
0x12: {  	s26 =	smul.u32 $0x61C000, s24  }
0x13: {  	s29 =	rddreg [dreg:$0x6]  }
0x14: {  	s0 =	sshrl.u32 s28, $0x3;
	s30 =	sadd.s32 s29, s26  }
0x15: {  	s2 =	simm.s32 $0x18000;
	s3 =	sadd.s32 s6, s0;
	s0 =	sshrl.u32 s30, $0x3  }
0x16: {  	[tilespmem:s2], [sflag:$0x1] =	stream.linear.gather [hbm4b:s3+s4], $0x400, $0x38;
	[tilespmem:$0x1C800] =	vst v63  }
0x17: {  	[dreg:$0xa] =	wrdreg s24;
	s31 =	simm.s32 $0x18400;
	s0 =	sadd.s32 s1, s0  }
0x18: {  	[tilespmem:s31], [sflag:$0x1] =	stream.linear.gather [hbm4b:s0+s4], $0x2000, $0x38;
	[tilespmem:$0x1C800] =	vst v63  }
0x19: {  	[dreg:$0xb] =	wrdreg s3;
	s0 =	simm.s32 $0x40  }
0x1a: {  	[tilespmem:s0+$0xFFFFFFC0] =	vst v0  }
0x1b: {  	[tilespmem:s0+$0x30] =	vst v0  }
0x1c: {  	[tilespmem:s0+$0x20] =	vst v0  }
0x1d: {  	[tilespmem:s0+$0x10] =	vst v0  }
0x1e: {  	[tilespmem:s0+$0x0] =	vst v0  }
0x1f: {  	[tilespmem:s0+$0xFFFFFFF0] =	vst v0  }
0x20: {  	s2 =	simm.s32 $0x0;
	[tilespmem:s0+$0xFFFFFFE0] =	vst v0  }
.LBB2_3:
0x21: {  	s2 =	sadd.s32 $0x80, s2;
	[tilespmem:s0+$0xFFFFFFD0] =	vst v0;
	s0 =	sadd.s32 $0x80, s0  }
0x22: {  	[tilespmem:s0+$0xFFFFFFC0] =	vst v0;
	p0 =	slt.u32 s2, $0x17F80  }
0x23: {  	[tilespmem:s0+$0x30] =	vst v0  }
.Ltmp0:
0x24: {  	[tilespmem:s0+$0x20] =	vst v0;
	(pc) =	sbr.rel @p0 .LBB2_3-.Ltmp0, $4  }
0x25: {  	[tilespmem:s0+$0x10] =	vst v0  }
0x26: {  	[tilespmem:s0+$0x0] =	vst v0  }
0x27: {  	[tilespmem:s0+$0xFFFFFFF0] =	vst v0  }
0x28: {  	[tilespmem:s0+$0xFFFFFFE0] =	vst v0  }
0x29: {  	[tilespmem:s0+$0xFFFFFFD0] =	vst v0;
	s31 =	simm.s32 $0x0;
	s0 =	simm.s32 $0x0  }
.LBB2_5:
0x2a: {  	s2 =	sshllo.u32 s0, $0x1  }
0x2b: {  	s5 =	sshll.u32 s2, $0xA  }
0x2c: {  	s2 =	sshll.u32 s2, $0xD;
	s5 =	sadd.s32 s28, s5  }
0x2d: {  	s2 =	sadd.s32 s30, s2;
	s5 =	sshrl.u32 s5, $0x3  }
0x2e: {  	s2 =	sshrl.u32 s2, $0x3;
	s5 =	sadd.s32 s6, s5  }
0x2f: {  	[tilespmem:s17], [sflag:$0x2] =	stream.linear.gather [hbm4b:s5+s31], $0x400, $0x38;
	[tilespmem:$0x1C800] =	vst v63  }
0x30: {  	s2 =	sadd.s32 s1, s2  }
0x31: {  	[tilespmem:s18], [sflag:$0x2] =	stream.linear.gather [hbm4b:s2+s31], $0x2000, $0x38;
	[tilespmem:$0x1C800] =	vst v63  }
0x32: {  	_ =	swait.ge [sflag:s19], $0x400  }
0x33: {  	s10 =	sand.u32 $0xE00, s31;
	s13 =	sand.u32 $0x1C00, s31;
	[sflag:s19] =	ssyncset.done $0x0  }
0x34: {  	s25 =	sshrl.u32 s9, $0x2;
	s13 =	sadd.s32 $0x18400, s13;
	[sflag:s19] =	ssyncadd.s32 $0xFFFFFC00  }
0x35: {  	s5 =	simm.s32 $0x0;
	s2 =	sshrl.u32 s10, $0x2;
	_ =	swait.ge [sflag:s19], $0x2000  }
0x36: {  	s23 =	sand.u32 $0x40, s5;
	s2 =	sor.u32 $0x18000, s2;
	[sflag:s19] =	ssyncset.done $0x0  }
0x37: {  	s22 =	sor.u32 $0x10, s23;
	s26 =	sor.u32 s23, s2;
	[sflag:s19] =	ssyncadd.s32 $0xFFFFE000  }
0x38: {  	s3 =	sor.u32 s25, s13;
	s7 =	sor.u32 $0x30, s23;
	s12 =	sor.u32 s22, s2;
	v5 =	vld [tilespmem:s26+$0x0]  }
0x39: {  	s8 =	sor.u32 $0x20, s23;
	s10 =	sadd.s32 s7, s3;
	v7 =	vld [tilespmem:s12+$0x0]  }
0x3a: {  	s15 =	sor.u32 s8, s2;
	v2 =	vld [tilespmem:s10+$0x0]  }
0x3b: {  	s16 =	sadd.s32 s8, s3;
	s26 =	sshrl.u32 s11, $0x2;
	v6 =	vld [tilespmem:s15+$0x0]  }
0x3c: {  	s2 =	sor.u32 s7, s2;
	v8 =	vld [tilespmem:s16+$0x0];
	s13 =	sor.u32 s26, s13  }
0x3d: {  	v3 =	vld [tilespmem:s2+$0x0];
	s21 =	sadd.s32 s22, s13  }
0x3e: {  	s22 =	sadd.s32 s22, s3;
	v9 =	vld [tilespmem:s21+$0x0]  }
0x3f: {  	s3 =	sadd.s32 s23, s3;
	v11 =	vld [tilespmem:s22+$0x0]  }
0x40: {  	s8 =	sadd.s32 s8, s13;
	v12 =	vld [tilespmem:s3+$0x0]  }
0x41: {  	s24 =	sadd.s32 s23, s13;
	v10 =	vld [tilespmem:s8+$0x0]  }
0x42: {  	s29 =	sadd.s32 s7, s13;
	v14 =	vld [tilespmem:s24+$0x0];
	v13 =	vadd.s32 $0x8000, v5  }
0x43: {  	v4 =	vld [tilespmem:s29+$0x0];
	v16 =	vadd.s32 $0x8000, v7  }
0x44: {  	v62 =	vadd.s32 $0x8000, v6;
	[tilespmem:v7+s4+$0x0] =	vst.idx.add.f32.msk $0xffff, v11  }
0x45: {  	v15 =	vadd.s32 $0x10000, v5;
	[tilespmem:v5+s4+$0x0] =	vst.idx.add.f32.msk $0xffff, v12  }
0x46: {  	v63 =	vadd.s32 $0x10000, v6;
	[tilespmem:v6+s4+$0x0] =	vst.idx.add.f32.msk $0xffff, v8  }
0x47: {  	[tilespmem:v13+s4+$0x0] =	vst.idx.add.f32.msk $0xffff, v14  }
0x48: {  	v6 =	vadd.s32 $0x8000, v3;
	[tilespmem:v16+s4+$0x0] =	vst.idx.add.f32.msk $0xffff, v9  }
0x49: {  	v5 =	vadd.s32 $0x10000, v7;
	v7 =	vadd.s32 $0x10000, v3;
	[tilespmem:v62+s4+$0x0] =	vst.idx.add.f32.msk $0xffff, v10  }
0x4a: {  	[tilespmem:v15+s4+$0x0] =	vst.idx.add.f32.msk $0xffff, v1  }
0x4b: {  	s2 =	simm.s32 $0x100;
	s13 =	sshll.u32 s0, $0x1;
	s23 =	simm.s32 $0x200;
	[tilespmem:v63+s4+$0x0] =	vst.idx.add.f32.msk $0xffff, v1  }
.LBB2_6:
0x4c: {  	s5 =	sadd.s32 $0x40, s5;
	s3 =	sand.u32 $0xE00, s2;
	s7 =	sand.u32 $0x1C00, s23;
	[tilespmem:v3+s4+$0x0] =	vst.idx.add.f32.msk $0xffff, v2  }
0x4d: {  	s8 =	sand.u32 $0x40, s5;
	s3 =	sshrl.u32 s3, $0x2;
	[tilespmem:v6+s4+$0x0] =	vst.idx.add.f32.msk $0xffff, v4  }
0x4e: {  	s7 =	sadd.s32 $0x18400, s7;
	s3 =	sor.u32 $0x18000, s3;
	[tilespmem:v7+s4+$0x0] =	vst.idx.add.f32.msk $0xffff, v1  }
0x4f: {  	s22 =	sor.u32 $0x10, s8;
	s12 =	sor.u32 $0x20, s8;
	s10 =	sor.u32 s8, s3;
	[tilespmem:v5+s4+$0x0] =	vst.idx.add.f32.msk $0xffff, v1  }
0x50: {  	s29 =	sor.u32 $0x30, s8;
	s21 =	sor.u32 s22, s3;
	v5 =	vld [tilespmem:s10+$0x0];
	s10 =	sor.u32 s25, s7  }
0x51: {  	s24 =	sadd.s32 s8, s10;
	v7 =	vld [tilespmem:s21+$0x0];
	s21 =	sor.u32 s29, s3;
	s15 =	sadd.s32 s29, s10  }
0x52: {  	s16 =	sadd.s32 s22, s10;
	s3 =	sor.u32 s12, s3;
	s10 =	sadd.s32 s12, s10;
	v2 =	vld [tilespmem:s15+$0x0]  }
0x53: {  	p0 =	slt.u32 s5, $0x3C0;
	s7 =	sor.u32 s26, s7;
	v6 =	vld [tilespmem:s3+$0x0]  }
0x54: {  	s3 =	sadd.s32 s8, s7;
	s8 =	sadd.s32 s22, s7;
	v8 =	vld [tilespmem:s10+$0x0];
	s10 =	sadd.s32 s29, s7  }
0x55: {  	s7 =	sadd.s32 s12, s7;
	v9 =	vadd.s32 $0x8000, v5;
	v10 =	vld [tilespmem:s8+$0x0]  }
0x56: {  	v11 =	vld [tilespmem:s7+$0x0]  }
0x57: {  	v12 =	vld [tilespmem:s16+$0x0]  }
0x58: {  	v14 =	vadd.s32 $0x8000, v7;
	v13 =	vld [tilespmem:s24+$0x0]  }
0x59: {  	v3 =	vld [tilespmem:s21+$0x0]  }
0x5a: {  	v16 =	vadd.s32 $0x10000, v5;
	v15 =	vld [tilespmem:s3+$0x0]  }
0x5b: {  	v4 =	vld [tilespmem:s10+$0x0]  }
0x5c: {  	[tilespmem:v7+s4+$0x0] =	vst.idx.add.f32.msk $0xffff, v12;
	v12 =	vadd.s32 $0x8000, v6  }
0x5d: {  	[tilespmem:v5+s4+$0x0] =	vst.idx.add.f32.msk $0xffff, v13;
	v13 =	vadd.s32 $0x10000, v6  }
0x5e: {  	[tilespmem:v6+s4+$0x0] =	vst.idx.add.f32.msk $0xffff, v8  }
.Ltmp1:
0x5f: {  	[tilespmem:v9+s4+$0x0] =	vst.idx.add.f32.msk $0xffff, v15;
	(pc) =	sbr.rel @p0 .LBB2_6-.Ltmp1, $4  }
0x60: {  	v6 =	vadd.s32 $0x8000, v3;
	[tilespmem:v16+s4+$0x0] =	vst.idx.add.f32.msk $0xffff, v1  }
0x61: {  	v5 =	vadd.s32 $0x10000, v7;
	v7 =	vadd.s32 $0x10000, v3;
	[tilespmem:v14+s4+$0x0] =	vst.idx.add.f32.msk $0xffff, v10  }
0x62: {  	[tilespmem:v12+s4+$0x0] =	vst.idx.add.f32.msk $0xffff, v11  }
0x63: {  	s23 =	sadd.s32 $0x200, s23;
	s2 =	sadd.s32 $0x100, s2;
	[tilespmem:v13+s4+$0x0] =	vst.idx.add.f32.msk $0xffff, v1  }
0x64: {  	_ =	sdelay $0x2  }
0x65: {  	s2 =	sadd.s32 $0x2, s13  }
0x66: {  	[tilespmem:v3+s4+$0x0] =	vst.idx.add.f32.msk $0xffff, v2;
	s3 =	sshll.u32 s2, $0xA  }
0x67: {  	[tilespmem:v5+s4+$0x0] =	vst.idx.add.f32.msk $0xffff, v1;
	s2 =	sshll.u32 s2, $0xD;
	s3 =	sadd.s32 s28, s3  }
0x68: {  	s7 =	simm.s32 $0x0;
	[tilespmem:v6+s4+$0x0] =	vst.idx.add.f32.msk $0xffff, v4;
	s2 =	sadd.s32 s30, s2;
	s3 =	sshrl.u32 s3, $0x3  }
0x69: {  	s5 =	simm.s32 $0x18000;
	[tilespmem:v7+s4+$0x0] =	vst.idx.add.f32.msk $0xffff, v1;
	s2 =	sshrl.u32 s2, $0x3;
	s3 =	sadd.s32 s6, s3  }
0x6a: {  	[tilespmem:s5], [sflag:$0x1] =	stream.linear.gather [hbm4b:s3+s7], $0x400, $0x38;
	[tilespmem:$0x1C800] =	vst v63  }
0x6b: {  	s16 =	simm.s32 $0x18400;
	s2 =	sadd.s32 s1, s2  }
0x6c: {  	[tilespmem:s16], [sflag:$0x1] =	stream.linear.gather [hbm4b:s2+s7], $0x2000, $0x38;
	[tilespmem:$0x1C800] =	vst v63  }
0x6d: {  	_ =	swait.ge [sflag:s20], $0x400  }
0x6e: {  	s5 =	simm.s32 $0x0;
	[sflag:s20] =	ssyncset.done $0x0  }
0x6f: {  	s21 =	sand.u32 $0xE00, s7;
	s22 =	sand.u32 $0x40, s5;
	[sflag:s20] =	ssyncadd.s32 $0xFFFFFC00  }
0x70: {  	s2 =	sshrl.u32 s21, $0x2;
	s7 =	sand.u32 $0x1C00, s7;
	_ =	swait.ge [sflag:s20], $0x2000  }
0x71: {  	s8 =	sor.u32 $0x10, s22;
	s2 =	sor.u32 $0x1A400, s2;
	[sflag:s20] =	ssyncset.done $0x0  }
0x72: {  	s7 =	sadd.s32 $0x1A800, s7;
	s10 =	sor.u32 s8, s2;
	[sflag:s20] =	ssyncadd.s32 $0xFFFFE000  }
0x73: {  	s12 =	sor.u32 s22, s2;
	s13 =	sor.u32 s26, s7;
	v3 =	vld [tilespmem:s10+$0x0]  }
0x74: {  	s23 =	sor.u32 $0x30, s22;
	s7 =	sor.u32 s25, s7;
	s24 =	sadd.s32 s8, s13;
	v4 =	vld [tilespmem:s12+$0x0]  }
0x75: {  	s15 =	sor.u32 $0x20, s22;
	s29 =	sadd.s32 s23, s7;
	v5 =	vld [tilespmem:s24+$0x0]  }
0x76: {  	s16 =	sor.u32 s15, s2;
	v6 =	vld [tilespmem:s29+$0x0]  }
0x77: {  	s21 =	sadd.s32 s22, s13;
	v7 =	vld [tilespmem:s16+$0x0]  }
0x78: {  	s2 =	sor.u32 s23, s2;
	v8 =	vld [tilespmem:s21+$0x0]  }
0x79: {  	s3 =	sadd.s32 s22, s7;
	v10 =	vld [tilespmem:s2+$0x0]  }
0x7a: {  	s22 =	sadd.s32 s8, s7;
	v9 =	vld [tilespmem:s3+$0x0]  }
0x7b: {  	s23 =	sadd.s32 s23, s13;
	v11 =	vld [tilespmem:s22+$0x0]  }
0x7c: {  	v13 =	vld [tilespmem:s23+$0x0];
	s29 =	sadd.s32 s15, s7  }
0x7d: {  	s24 =	sadd.s32 s15, s13;
	v15 =	vld [tilespmem:s29+$0x0]  }
0x7e: {  	v2 =	vld [tilespmem:s24+$0x0];
	v12 =	vadd.s32 $0x8000, v3  }
0x7f: {  	v16 =	vadd.s32 $0x8000, v4;
	[tilespmem:v4+s4+$0x0] =	vst.idx.add.f32.msk $0xffff, v9  }
0x80: {  	v63 =	vadd.s32 $0x8000, v10;
	[tilespmem:v3+s4+$0x0] =	vst.idx.add.f32.msk $0xffff, v11  }
0x81: {  	v14 =	vadd.s32 $0x10000, v3;
	[tilespmem:v10+s4+$0x0] =	vst.idx.add.f32.msk $0xffff, v6  }
0x82: {  	v6 =	vadd.s32 $0x10000, v10;
	[tilespmem:v7+s4+$0x0] =	vst.idx.add.f32.msk $0xffff, v15  }
0x83: {  	[tilespmem:v12+s4+$0x0] =	vst.idx.add.f32.msk $0xffff, v5;
	v5 =	vadd.s32 $0x8000, v7  }
0x84: {  	v3 =	vadd.s32 $0x10000, v4;
	v4 =	vadd.s32 $0x10000, v7;
	[tilespmem:v16+s4+$0x0] =	vst.idx.add.f32.msk $0xffff, v8  }
0x85: {  	[tilespmem:v63+s4+$0x0] =	vst.idx.add.f32.msk $0xffff, v13  }
0x86: {  	s13 =	simm.s32 $0x200;
	s2 =	simm.s32 $0x100;
	[tilespmem:v14+s4+$0x0] =	vst.idx.add.f32.msk $0xffff, v1  }
.LBB2_8:
0x87: {  	s5 =	sadd.s32 $0x40, s5;
	s3 =	sand.u32 $0xE00, s2;
	s7 =	sand.u32 $0x1C00, s13;
	[tilespmem:v6+s4+$0x0] =	vst.idx.add.f32.msk $0xffff, v1  }
0x88: {  	s8 =	sand.u32 $0x40, s5;
	s3 =	sshrl.u32 s3, $0x2;
	s7 =	sadd.s32 $0x1A800, s7;
	[tilespmem:v5+s4+$0x0] =	vst.idx.add.f32.msk $0xffff, v2  }
0x89: {  	s3 =	sor.u32 $0x1A400, s3;
	s10 =	sor.u32 s25, s7;
	s12 =	sor.u32 $0x10, s8;
	[tilespmem:v4+s4+$0x0] =	vst.idx.add.f32.msk $0xffff, v1  }
0x8a: {  	s15 =	sor.u32 s8, s3;
	s16 =	sadd.s32 s8, s10;
	s21 =	sor.u32 s12, s3;
	[tilespmem:v3+s4+$0x0] =	vst.idx.add.f32.msk $0xffff, v1  }
0x8b: {  	s7 =	sor.u32 s26, s7;
	s22 =	sor.u32 $0x30, s8;
	v4 =	vld [tilespmem:s21+$0x0];
	s21 =	sor.u32 $0x20, s8  }
0x8c: {  	v3 =	vld [tilespmem:s15+$0x0];
	s15 =	sadd.s32 s12, s7;
	s23 =	sor.u32 s21, s3;
	s3 =	sor.u32 s22, s3  }
0x8d: {  	s8 =	sadd.s32 s8, s7;
	s12 =	sadd.s32 s12, s10;
	v5 =	vld [tilespmem:s15+$0x0];
	s15 =	sadd.s32 s22, s10  }
0x8e: {  	s10 =	sadd.s32 s21, s10;
	s21 =	sadd.s32 s21, s7;
	s7 =	sadd.s32 s22, s7;
	v7 =	vld [tilespmem:s15+$0x0]  }
0x8f: {  	p0 =	slt.u32 s5, $0x3C0;
	v8 =	vld [tilespmem:s23+$0x0]  }
0x90: {  	v9 =	vld [tilespmem:s8+$0x0]  }
0x91: {  	v10 =	vadd.s32 $0x8000, v4;
	v6 =	vld [tilespmem:s16+$0x0]  }
0x92: {  	v11 =	vld [tilespmem:s3+$0x0]  }
0x93: {  	v12 =	vld [tilespmem:s12+$0x0]  }
0x94: {  	v13 =	vadd.s32 $0x10000, v4;
	v14 =	vld [tilespmem:s7+$0x0]  }
0x95: {  	v2 =	vld [tilespmem:s21+$0x0]  }
0x96: {  	v15 =	vadd.s32 $0x8000, v3;
	v16 =	vld [tilespmem:s10+$0x0]  }
0x97: {  	[tilespmem:v3+s4+$0x0] =	vst.idx.add.f32.msk $0xffff, v6;
	v3 =	vadd.s32 $0x10000, v3  }
0x98: {  	[tilespmem:v4+s4+$0x0] =	vst.idx.add.f32.msk $0xffff, v12;
	v12 =	vadd.s32 $0x8000, v11  }
0x99: {  	v6 =	vadd.s32 $0x10000, v11;
	[tilespmem:v10+s4+$0x0] =	vst.idx.add.f32.msk $0xffff, v5;
	v5 =	vadd.s32 $0x8000, v8  }
.Ltmp2:
0x9a: {  	v4 =	vadd.s32 $0x10000, v8;
	[tilespmem:v11+s4+$0x0] =	vst.idx.add.f32.msk $0xffff, v7;
	(pc) =	sbr.rel @p0 .LBB2_8-.Ltmp2, $4  }
0x9b: {  	[tilespmem:v13+s4+$0x0] =	vst.idx.add.f32.msk $0xffff, v1  }
0x9c: {  	[tilespmem:v15+s4+$0x0] =	vst.idx.add.f32.msk $0xffff, v9  }
0x9d: {  	[tilespmem:v12+s4+$0x0] =	vst.idx.add.f32.msk $0xffff, v14  }
0x9e: {  	s13 =	sadd.s32 $0x200, s13;
	s2 =	sadd.s32 $0x100, s2;
	[tilespmem:v8+s4+$0x0] =	vst.idx.add.f32.msk $0xffff, v16  }
0x9f: {  	_ = 	snop  }
0xa0: {  	s0 =	sadd.s32 $0x1, s0  }
0xa1: {  	p0 =	sne.s32 s0, $0x30  }
.Ltmp3:
0xa2: {  	_ = 	snop;
	(pc) =	sbr.rel @p0 .LBB2_5-.Ltmp3, $4  }
0xa3: {  	[tilespmem:v6+s4+$0x0] =	vst.idx.add.f32.msk $0xffff, v1  }
0xa4: {  	[tilespmem:v5+s4+$0x0] =	vst.idx.add.f32.msk $0xffff, v2  }
0xa5: {  	[tilespmem:v3+s4+$0x0] =	vst.idx.add.f32.msk $0xffff, v1  }
0xa6: {  	[tilespmem:v4+s4+$0x0] =	vst.idx.add.f32.msk $0xffff, v1  }
0xa7: {  	s0 =	rddreg [dreg:$0xb]  }
0xa8: {  	s2 =	simm.s32 $0x0;
	s24 =	rddreg [dreg:$0xa]  }
0xa9: {  	s13 =	rddreg [dreg:$0x7];
	s0 =	sadd.s32 $0x3080, s0;
	s3 =	smul.u32 $0xC000, s24  }
0xaa: {  	[tilespmem:s17], [sflag:$0x2] =	stream.linear.gather [hbm4b:s0+s2], $0x400, $0x38;
	[tilespmem:$0x1C800] =	vst v63  }
0xab: {  	s0 =	sadd.s32 s13, s3  }
0xac: {  	s15 =	rddreg [dreg:$0x1];
	s0 =	sshrl.u32 s0, $0x3  }
0xad: {  	s0 =	sadd.s32 s15, s0  }
0xae: {  	[tilespmem:s18], [sflag:$0x2] =	stream.linear.gather [hbm4b:s0+s2], $0x1800, $0x38;
	[tilespmem:$0x1C800] =	vst v63  }
0xaf: {  	_ =	swait.ge [sflag:s19], $0x400  }
0xb0: {  	s16 =	sand.u32 $0xE00, s2;
	[sflag:s19] =	ssyncset.done $0x0  }
0xb1: {  	s3 =	sshrl.u32 s16, $0x2;
	s0 =	simm.s32 $0x0;
	[sflag:s19] =	ssyncadd.s32 $0xFFFFFC00  }
0xb2: {  	s3 =	sor.u32 $0x18000, s3;
	s5 =	sand.u32 $0x40, s0;
	_ =	swait.ge [sflag:s19], $0x2000  }
0xb3: {  	s2 =	sand.u32 $0x1C00, s2;
	s7 =	sor.u32 $0x10, s5;
	[sflag:s19] =	ssyncset.done $0x0  }
0xb4: {  	s2 =	sadd.s32 $0x18400, s2;
	s8 =	sor.u32 s7, s3;
	[sflag:s19] =	ssyncadd.s32 $0xFFFFE000  }
0xb5: {  	s10 =	sor.u32 s5, s3;
	s12 =	sor.u32 s26, s2;
	v3 =	vld [tilespmem:s8+$0x0]  }
0xb6: {  	s2 =	sor.u32 s25, s2;
	s21 =	sor.u32 $0x30, s5;
	s22 =	sadd.s32 s7, s12;
	v4 =	vld [tilespmem:s10+$0x0]  }
0xb7: {  	s13 =	sor.u32 $0x20, s5;
	s23 =	sadd.s32 s21, s2;
	v5 =	vld [tilespmem:s22+$0x0]  }
0xb8: {  	s15 =	sor.u32 s13, s3;
	v6 =	vld [tilespmem:s23+$0x0]  }
0xb9: {  	s28 =	sadd.s32 s5, s12;
	v7 =	vld [tilespmem:s15+$0x0]  }
0xba: {  	s3 =	sor.u32 s21, s3;
	v8 =	vld [tilespmem:s28+$0x0]  }
0xbb: {  	s5 =	sadd.s32 s5, s2;
	v10 =	vld [tilespmem:s3+$0x0]  }
0xbc: {  	s29 =	sadd.s32 s7, s2;
	v9 =	vld [tilespmem:s5+$0x0]  }
0xbd: {  	s30 =	sadd.s32 s21, s12;
	v11 =	vld [tilespmem:s29+$0x0]  }
0xbe: {  	s2 =	sadd.s32 s13, s2;
	v13 =	vld [tilespmem:s30+$0x0]  }
0xbf: {  	s31 =	sadd.s32 s13, s12;
	v15 =	vld [tilespmem:s2+$0x0]  }
0xc0: {  	v2 =	vld [tilespmem:s31+$0x0];
	v12 =	vadd.s32 $0x8000, v3  }
0xc1: {  	v16 =	vadd.s32 $0x8000, v4;
	[tilespmem:v4+s4+$0x0] =	vst.idx.add.f32.msk $0xffff, v9  }
0xc2: {  	v63 =	vadd.s32 $0x8000, v10;
	[tilespmem:v3+s4+$0x0] =	vst.idx.add.f32.msk $0xffff, v11  }
0xc3: {  	v14 =	vadd.s32 $0x10000, v3;
	[tilespmem:v10+s4+$0x0] =	vst.idx.add.f32.msk $0xffff, v6  }
0xc4: {  	v6 =	vadd.s32 $0x10000, v10;
	[tilespmem:v7+s4+$0x0] =	vst.idx.add.f32.msk $0xffff, v15  }
0xc5: {  	[tilespmem:v12+s4+$0x0] =	vst.idx.add.f32.msk $0xffff, v5;
	v5 =	vadd.s32 $0x8000, v7  }
0xc6: {  	v3 =	vadd.s32 $0x10000, v4;
	v4 =	vadd.s32 $0x10000, v7;
	[tilespmem:v16+s4+$0x0] =	vst.idx.add.f32.msk $0xffff, v8  }
0xc7: {  	[tilespmem:v63+s4+$0x0] =	vst.idx.add.f32.msk $0xffff, v13  }
0xc8: {  	s5 =	simm.s32 $0x200;
	s2 =	simm.s32 $0x100;
	[tilespmem:v14+s4+$0x0] =	vst.idx.add.f32.msk $0xffff, v1  }
.LBB2_11:
0xc9: {  	s0 =	sadd.s32 $0x40, s0;
	s3 =	sand.u32 $0xE00, s2;
	s7 =	sand.u32 $0x1C00, s5;
	[tilespmem:v6+s4+$0x0] =	vst.idx.add.f32.msk $0xffff, v1  }
0xca: {  	s8 =	sand.u32 $0x40, s0;
	s3 =	sshrl.u32 s3, $0x2;
	s7 =	sadd.s32 $0x18400, s7;
	[tilespmem:v5+s4+$0x0] =	vst.idx.add.f32.msk $0xffff, v2  }
0xcb: {  	s3 =	sor.u32 $0x18000, s3;
	s10 =	sor.u32 s25, s7;
	s12 =	sor.u32 $0x10, s8;
	[tilespmem:v4+s4+$0x0] =	vst.idx.add.f32.msk $0xffff, v1  }
0xcc: {  	s13 =	sor.u32 s8, s3;
	s15 =	sadd.s32 s8, s10;
	s16 =	sor.u32 s12, s3;
	[tilespmem:v3+s4+$0x0] =	vst.idx.add.f32.msk $0xffff, v1  }
0xcd: {  	s7 =	sor.u32 s26, s7;
	s21 =	sor.u32 $0x30, s8;
	v4 =	vld [tilespmem:s16+$0x0];
	s16 =	sor.u32 $0x20, s8  }
0xce: {  	v3 =	vld [tilespmem:s13+$0x0];
	s13 =	sadd.s32 s12, s7;
	s22 =	sor.u32 s16, s3;
	s3 =	sor.u32 s21, s3  }
0xcf: {  	s8 =	sadd.s32 s8, s7;
	s12 =	sadd.s32 s12, s10;
	v5 =	vld [tilespmem:s13+$0x0];
	s13 =	sadd.s32 s21, s10  }
0xd0: {  	s10 =	sadd.s32 s16, s10;
	s16 =	sadd.s32 s16, s7;
	s7 =	sadd.s32 s21, s7;
	v7 =	vld [tilespmem:s13+$0x0]  }
0xd1: {  	p0 =	slt.u32 s0, $0x3C0;
	v8 =	vld [tilespmem:s22+$0x0]  }
0xd2: {  	v9 =	vld [tilespmem:s8+$0x0]  }
0xd3: {  	v10 =	vadd.s32 $0x8000, v4;
	v6 =	vld [tilespmem:s15+$0x0]  }
0xd4: {  	v11 =	vld [tilespmem:s3+$0x0]  }
0xd5: {  	v12 =	vld [tilespmem:s12+$0x0]  }
0xd6: {  	v13 =	vadd.s32 $0x10000, v4;
	v14 =	vld [tilespmem:s7+$0x0]  }
0xd7: {  	v2 =	vld [tilespmem:s16+$0x0]  }
0xd8: {  	v15 =	vadd.s32 $0x8000, v3;
	v16 =	vld [tilespmem:s10+$0x0]  }
0xd9: {  	[tilespmem:v3+s4+$0x0] =	vst.idx.add.f32.msk $0xffff, v6;
	v3 =	vadd.s32 $0x10000, v3  }
0xda: {  	[tilespmem:v4+s4+$0x0] =	vst.idx.add.f32.msk $0xffff, v12;
	v12 =	vadd.s32 $0x8000, v11  }
0xdb: {  	v6 =	vadd.s32 $0x10000, v11;
	[tilespmem:v10+s4+$0x0] =	vst.idx.add.f32.msk $0xffff, v5;
	v5 =	vadd.s32 $0x8000, v8  }
.Ltmp4:
0xdc: {  	v4 =	vadd.s32 $0x10000, v8;
	[tilespmem:v11+s4+$0x0] =	vst.idx.add.f32.msk $0xffff, v7;
	(pc) =	sbr.rel @p0 .LBB2_11-.Ltmp4, $4  }
0xdd: {  	[tilespmem:v13+s4+$0x0] =	vst.idx.add.f32.msk $0xffff, v1  }
0xde: {  	[tilespmem:v15+s4+$0x0] =	vst.idx.add.f32.msk $0xffff, v9  }
0xdf: {  	[tilespmem:v12+s4+$0x0] =	vst.idx.add.f32.msk $0xffff, v14  }
0xe0: {  	s5 =	sadd.s32 $0x200, s5;
	s2 =	sadd.s32 $0x100, s2;
	[tilespmem:v8+s4+$0x0] =	vst.idx.add.f32.msk $0xffff, v16  }
0xe1: {  	_ =	sdelay $0x3  }
0xe2: {  	[tilespmem:v6+s4+$0x0] =	vst.idx.add.f32.msk $0xffff, v1  }
0xe3: {  	[tilespmem:v5+s4+$0x0] =	vst.idx.add.f32.msk $0xffff, v2  }
0xe4: {  	[tilespmem:v3+s4+$0x0] =	vst.idx.add.f32.msk $0xffff, v1  }
0xe5: {  	[tilespmem:v4+s4+$0x0] =	vst.idx.add.f32.msk $0xffff, v1  }
0xe6: {  	_ =	swait.ge [sflag:s20], $0x400  }
0xe7: {  	s0 =	simm.s32 $0x0;
	s28 =	simm.s32 $0x0;
	[sflag:s20] =	ssyncset.done $0x0  }
0xe8: {  	s2 =	sand.u32 $0xE00, s0;
	s3 =	sand.u32 $0x40, s28;
	[sflag:s20] =	ssyncadd.s32 $0xFFFFFC00  }
0xe9: {  	s5 =	sand.u32 $0x1C00, s0;
	s2 =	sshrl.u32 s2, $0x2;
	_ =	swait.ge [sflag:s20], $0x1800  }
0xea: {  	s7 =	sor.u32 $0x10, s3;
	s2 =	sor.u32 $0x1A400, s2;
	[sflag:s20] =	ssyncset.done $0x0  }
0xeb: {  	s5 =	sadd.s32 $0x1A800, s5;
	s8 =	sor.u32 s7, s2;
	[sflag:s20] =	ssyncadd.s32 $0xFFFFE800  }
0xec: {  	s12 =	sor.u32 s26, s5;
	s10 =	sor.u32 s3, s2;
	v4 =	vld [tilespmem:s8+$0x0]  }
0xed: {  	s5 =	sor.u32 s25, s5;
	s21 =	sadd.s32 s7, s12;
	v5 =	vld [tilespmem:s10+$0x0]  }
0xee: {  	s13 =	sor.u32 $0x20, s3;
	s22 =	sadd.s32 s3, s5;
	v6 =	vld [tilespmem:s21+$0x0]  }
0xef: {  	s23 =	sor.u32 $0x30, s3;
	s15 =	sadd.s32 s13, s12;
	v3 =	vld [tilespmem:s22+$0x0]  }
0xf0: {  	s16 =	sadd.s32 s23, s5;
	v2 =	vld [tilespmem:s15+$0x0]  }
0xf1: {  	v7 =	vld [tilespmem:s16+$0x0];
	s22 =	sor.u32 s23, s2;
	s2 =	sor.u32 s13, s2  }
0xf2: {  	v12 =	vld [tilespmem:s2+$0x0]  }
0xf3: {  	s21 =	sadd.s32 s13, s5;
	s5 =	sadd.s32 s7, s5;
	v9 =	vld [tilespmem:s22+$0x0]  }
0xf4: {  	v10 =	vld [tilespmem:s5+$0x0]  }
0xf5: {  	s3 =	sadd.s32 s3, s12;
	v8 =	vld [tilespmem:s21+$0x0]  }
0xf6: {  	v14 =	vld [tilespmem:s3+$0x0]  }
0xf7: {  	s23 =	sadd.s32 s23, s12;
	v11 =	vadd.s32 $0x8000, v4;
	[tilespmem:v5+s0+$0x0] =	vst.idx.add.f32.msk $0xffff, v3  }
0xf8: {  	v15 =	vadd.s32 $0x8000, v5;
	v3 =	vld [tilespmem:s23+$0x0]  }
0xf9: {  	v13 =	vadd.s32 $0x10000, v4;
	[tilespmem:v4+s0+$0x0] =	vst.idx.add.f32.msk $0xffff, v10  }
0xfa: {  	v63 =	vadd.s32 $0x10000, v5;
	[tilespmem:v12+s0+$0x0] =	vst.idx.add.f32.msk $0xffff, v8  }
0xfb: {  	v5 =	vadd.s32 $0x8000, v9;
	[tilespmem:v9+s0+$0x0] =	vst.idx.add.f32.msk $0xffff, v7  }
0xfc: {  	v7 =	vadd.s32 $0x8000, v12;
	[tilespmem:v11+s0+$0x0] =	vst.idx.add.f32.msk $0xffff, v6  }
0xfd: {  	[tilespmem:v15+s0+$0x0] =	vst.idx.add.f32.msk $0xffff, v14;
	v6 =	vadd.s32 $0x10000, v12  }
0xfe: {  	s29 =	simm.s32 $0xA00;
	s31 =	simm.s32 $0x100;
	v4 =	vadd.s32 $0x10000, v9;
	[tilespmem:v13+s0+$0x0] =	vst.idx.add.f32.msk $0xffff, v1  }
0xff: {  	s30 =	simm.s32 $0x270;
	s13 =	simm.s32 $0x200;
	s5 =	simm.s32 $0x1400;
	[tilespmem:v63+s0+$0x0] =	vst.idx.add.f32.msk $0xffff, v1  }
.LBB2_13:
0x100: {  	s28 =	sadd.s32 $0x40, s28;
	s2 =	sand.u32 $0xE00, s31;
	s3 =	sand.u32 $0x1C00, s13;
	[tilespmem:v5+s0+$0x0] =	vst.idx.add.f32.msk $0xffff, v3  }
0x101: {  	s7 =	sand.u32 $0x40, s28;
	s2 =	sshrl.u32 s2, $0x2;
	s3 =	sadd.s32 $0x1A800, s3;
	[tilespmem:v7+s0+$0x0] =	vst.idx.add.f32.msk $0xffff, v2  }
0x102: {  	s2 =	sor.u32 $0x1A400, s2;
	s8 =	sor.u32 s25, s3;
	s10 =	sor.u32 $0x10, s7;
	[tilespmem:v6+s0+$0x0] =	vst.idx.add.f32.msk $0xffff, v1  }
0x103: {  	s12 =	sor.u32 s7, s2;
	s15 =	sadd.s32 s7, s8;
	s16 =	sor.u32 s10, s2;
	[tilespmem:v4+s0+$0x0] =	vst.idx.add.f32.msk $0xffff, v1  }
0x104: {  	s3 =	sor.u32 s26, s3;
	s21 =	sor.u32 $0x30, s7;
	v4 =	vld [tilespmem:s16+$0x0];
	s16 =	sor.u32 $0x20, s7  }
0x105: {  	v3 =	vld [tilespmem:s12+$0x0];
	s12 =	sadd.s32 s10, s3;
	s22 =	sor.u32 s16, s2;
	s2 =	sor.u32 s21, s2  }
0x106: {  	s23 =	sadd.s32 s21, s8;
	v5 =	vld [tilespmem:s12+$0x0];
	s12 =	sadd.s32 s16, s8;
	s16 =	sadd.s32 s16, s3  }
0x107: {  	s7 =	sadd.s32 s7, s3;
	s8 =	sadd.s32 s10, s8;
	s3 =	sadd.s32 s21, s3;
	v6 =	vld [tilespmem:s15+$0x0]  }
0x108: {  	p0 =	slt.u32 s28, $0x240;
	v2 =	vld [tilespmem:s16+$0x0]  }
0x109: {  	v8 =	vld [tilespmem:s23+$0x0]  }
0x10a: {  	v7 =	vadd.s32 $0x8000, v4;
	v9 =	vld [tilespmem:s12+$0x0]  }
0x10b: {  	v10 =	vadd.s32 $0x10000, v4;
	v11 =	vld [tilespmem:s2+$0x0]  }
0x10c: {  	v12 =	vld [tilespmem:s8+$0x0]  }
0x10d: {  	v13 =	vld [tilespmem:s22+$0x0]  }
0x10e: {  	v14 =	vld [tilespmem:s7+$0x0]  }
0x10f: {  	[tilespmem:v3+s0+$0x0] =	vst.idx.add.f32.msk $0xffff, v6;
	v6 =	vadd.s32 $0x8000, v3  }
0x110: {  	v15 =	vadd.s32 $0x10000, v3;
	v3 =	vld [tilespmem:s3+$0x0]  }
0x111: {  	[tilespmem:v4+s0+$0x0] =	vst.idx.add.f32.msk $0xffff, v12  }
0x112: {  	[tilespmem:v7+s0+$0x0] =	vst.idx.add.f32.msk $0xffff, v5;
	v5 =	vadd.s32 $0x8000, v11  }
.Ltmp5:
0x113: {  	[tilespmem:v10+s0+$0x0] =	vst.idx.add.f32.msk $0xffff, v1;
	(pc) =	sbr.rel @p0 .LBB2_13-.Ltmp5, $4  }
0x114: {  	v7 =	vadd.s32 $0x8000, v13;
	[tilespmem:v6+s0+$0x0] =	vst.idx.add.f32.msk $0xffff, v14  }
0x115: {  	v4 =	vadd.s32 $0x10000, v11;
	v6 =	vadd.s32 $0x10000, v13;
	[tilespmem:v13+s0+$0x0] =	vst.idx.add.f32.msk $0xffff, v9  }
0x116: {  	s2 =	simm.s32 $0x1A400;
	[tilespmem:v11+s0+$0x0] =	vst.idx.add.f32.msk $0xffff, v8  }
0x117: {  	s13 =	sadd.s32 $0x200, s13;
	s31 =	sadd.s32 $0x100, s31;
	[tilespmem:v15+s0+$0x0] =	vst.idx.add.f32.msk $0xffff, v1  }
0x118: {  	_ =	sdelay $0x3  }
0x119: {  	[tilespmem:v5+s0+$0x0] =	vst.idx.add.f32.msk $0xffff, v3  }
0x11a: {  	[tilespmem:v7+s0+$0x0] =	vst.idx.add.f32.msk $0xffff, v2  }
0x11b: {  	[tilespmem:v6+s0+$0x0] =	vst.idx.add.f32.msk $0xffff, v1  }
0x11c: {  	[tilespmem:v4+s0+$0x0] =	vst.idx.add.f32.msk $0xffff, v1  }
.LBB2_15:
0x11d: {  	s3 =	sshrl.u32 s29, $0x2  }
0x11e: {  	s3 =	sand.u32 $0x3FFFFF80, s3  }
0x11f: {  	s3 =	sadd.s32 s3, s2  }
0x120: {  	v2 =	vld [tilespmem:s3+$0x0]  }
0x121: {  	s31 =	sand.u32 $0x3FFFFC00, s5  }
0x122: {  	s7 =	sshra.s32 s0, $0x2;
	s3 =	sadd.s32 s31, s14  }
0x123: {  	s3 =	sadd.s32 s7, s3  }
0x124: {  	v3 =	vld [tilespmem:s3+$0x0]  }
0x125: {  	s30 =	sadd.s32 $0x10, s30;
	v4 =	vld [tilespmem:s3+$0x80];
	v5 =	vadd.s32 $0x8000, v2  }
0x126: {  	p0 =	slt.u32 s30, $0x290;
	v6 =	vadd.s32 $0x10000, v2  }
.Ltmp6:
0x127: {  	_ = 	snop;
	(pc) =	sbr.rel @p0 .LBB2_15-.Ltmp6, $4  }
0x128: {  	_ = 	snop  }
0x129: {  	[tilespmem:v2+s4+$0x0] =	vst.idx.add.f32.msk $0xffff, v3  }
0x12a: {  	s5 =	sadd.s32 $0x80, s5;
	s0 =	sadd.s32 $0x40, s0;
	[tilespmem:v5+s4+$0x0] =	vst.idx.add.f32.msk $0xffff, v4  }
0x12b: {  	s29 =	sadd.s32 $0x40, s29;
	s25 =	simm.s32 $0x10030;
	s2 =	sadd.s32 $0x10, s2;
	[tilespmem:v6+s4+$0x0] =	vst.idx.add.f32.msk $0xffff, v1  }
0x12c: {  	s0 =	simm.s32 $0x0  }
0x12d: {  	s2 =	sand.u32 $0x7FC0, s0  }
0x12e: {  	v2 =	vld [tilespmem:s2+$0x10000];
	_ =	sdelay $0x4  }
0x12f: {  	v2 =	vmax.f32 v2, $1.000000000e+00  }
0x130: {  	(erf) = vrcp.f32 v2;
	_ =	sdelay $0x3  }
0x131: {  	s31 =	simm.s32 $0x40  }
0x132: {  	s0 =	sand.u32 $0x7FC0, s31;
	v2 =	vld [tilespmem:s25+$0xFFFEFFD0]  }
0x133: {  	v3 =	vld [tilespmem:s0+$0x10000]  }
0x134: {  	v4 =	vld [tilespmem:s25+$0xFFFFFFE0]  }
0x135: {  	v5 =	vld [tilespmem:s25+$0xFFFFFFF0]  }
0x136: {  	v6 =	vld [tilespmem:s25+$0x0];
	v7 =	vpop (erf)  }
0x137: {  	v8 =	vld [tilespmem:s25+$0xFFFEFFE0];
	v2 =	vmul.f32 v7, v2  }
0x138: {  	v9 =	vld [tilespmem:s25+$0xFFFF7FE0];
	v3 =	vmax.f32 v3, $1.000000000e+00  }
0x139: {  	v10 =	vld [tilespmem:s25+$0xFFFF7FF0];
	(erf) = vrcp.f32 v3;
	[tilespmem:s25+$0xFFFEFFD0] =	vst v2;
	v2 =	vmax.f32 v4, $1.000000000e+00  }
0x13a: {  	v11 =	vld [tilespmem:s25+$0xFFFF8000];
	s28 =	simm.s32 $0x10070;
	v5 =	vmax.f32 v5, $1.000000000e+00;
	(erf) = vrcp.f32 v2  }
0x13b: {  	v13 =	vld [tilespmem:s28+$0xFFFFFFE0];
	(erf) = vrcp.f32 v5  }
0x13c: {  	v14 =	vld [tilespmem:s28+$0xFFFFFFF0];
	v2 =	vmax.f32 v6, $1.000000000e+00  }
0x13d: {  	s5 =	simm.s32 $0x80;
	v3 =	vld [tilespmem:s2+$0x8000];
	(erf) = vrcp.f32 v2  }
0x13e: {  	s26 =	sand.u32 $0x7FC0, s5;
	v2 =	vld [tilespmem:s28+$0xFFFEFFD0]  }
0x13f: {  	v12 =	vld [tilespmem:s26+$0x10000]  }
0x140: {  	v4 =	vld [tilespmem:s25+$0xFFFEFFF0]  }
0x141: {  	v15 =	vld [tilespmem:s28+$0x0]  }
0x142: {  	v5 =	vld [tilespmem:s25+$0xFFFF0000];
	v3 =	vmul.f32 v3, v7;
	v6 =	vpop (erf)  }
0x143: {  	v7 =	vld [tilespmem:s28+$0xFFFEFFE0];
	v16 =	vmul.f32 v6, v2;
	v17 =	vpop (erf)  }
0x144: {  	[tilespmem:s2+$0x8000] =	vst v3;
	v3 =	vmax.f32 v12, $1.000000000e+00;
	v2 =	vld [tilespmem:s28+$0xFFFF7FE0];
	v61 =	vmul.f32 v17, v8;
	v17 =	vmul.f32 v9, v17;
	v9 =	vpop (erf)  }
0x145: {  	v13 =	vmax.f32 v13, $1.000000000e+00;
	(erf) = vrcp.f32 v3;
	[tilespmem:s28+$0xFFFEFFD0] =	vst v16;
	v3 =	vld [tilespmem:s28+$0xFFFEFFF0];
	v62 =	vmul.f32 v9, v4  }
0x146: {  	v14 =	vmax.f32 v14, $1.000000000e+00;
	v8 =	vld [tilespmem:s0+$0x8000];
	v18 =	vpop (erf);
	(erf) = vrcp.f32 v13;
	v9 =	vmul.f32 v10, v9;
	[tilespmem:s25+$0xFFFEFFE0] =	vst v61  }
0x147: {  	v63 =	vmax.f32 v15, $1.000000000e+00;
	v4 =	vld [tilespmem:s28+$0xFFFF7FF0];
	(erf) = vrcp.f32 v14;
	[tilespmem:s25+$0xFFFF7FE0] =	vst v17;
	v10 =	vmul.f32 v18, v5  }
0x148: {  	s2 =	simm.s32 $0x10070;
	v5 =	vld [tilespmem:s28+$0xFFFF0000];
	v11 =	vmul.f32 v11, v18;
	(erf) = vrcp.f32 v63;
	[tilespmem:s25+$0xFFFEFFF0] =	vst v62  }
.LBB2_17:
0x149: {  	s5 =	sadd.s32 $0x40, s5;
	v12 =	vld [tilespmem:s28+$0xFFFF8000];
	s2 =	sadd.s32 $0x40, s2;
	[tilespmem:s25+$0xFFFF7FF0] =	vst v9  }
0x14a: {  	s3 =	sand.u32 $0x7FC0, s5;
	p0 =	slt.u32 s5, $0x7FC0;
	v9 =	vld [tilespmem:s2+$0xFFFEFFD0];
	[tilespmem:s25+$0xFFFF0000] =	vst v10  }
0x14b: {  	v10 =	vld [tilespmem:s3+$0x10000];
	v14 =	vmul.f32 v8, v6;
	[tilespmem:s25+$0xFFFF8000] =	vst v11;
	s25 =	smov.u32 s28;
	s28 =	smov.u32 s2  }
0x14c: {  	v8 =	vld [tilespmem:s2+$0xFFFFFFE0]  }
0x14d: {  	v11 =	vld [tilespmem:s2+$0xFFFFFFF0];
	[tilespmem:s0+$0x8000] =	vst v14;
	s0 =	smov.u32 s26;
	s26 =	smov.u32 s3  }
0x14e: {  	v13 =	vld [tilespmem:s2+$0x0];
	v6 =	vpop (erf)  }
0x14f: {  	v9 =	vmul.f32 v6, v9;
	v14 =	vld [tilespmem:s2+$0xFFFEFFE0];
	v15 =	vpop (erf)  }
.Ltmp7:
0x150: {  	v10 =	vmax.f32 v10, $1.000000000e+00;
	v7 =	vmul.f32 v15, v7;
	v15 =	vmul.f32 v2, v15;
	v2 =	vld [tilespmem:s2+$0xFFFF7FE0];
	v16 =	vpop (erf);
	(pc) =	sbr.rel @p0 .LBB2_17-.Ltmp7, $4  }
0x151: {  	(erf) = vrcp.f32 v10;
	[tilespmem:s2+$0xFFFEFFD0] =	vst v9;
	v9 =	vmax.f32 v8, $1.000000000e+00;
	v17 =	vmul.f32 v16, v3;
	v3 =	vld [tilespmem:s2+$0xFFFEFFF0];
	v18 =	vpop (erf)  }
0x152: {  	v8 =	vld [tilespmem:s0+$0x8000];
	v10 =	vmax.f32 v11, $1.000000000e+00;
	(erf) = vrcp.f32 v9;
	[tilespmem:s25+$0xFFFEFFE0] =	vst v7;
	v9 =	vmul.f32 v4, v16  }
0x153: {  	v4 =	vld [tilespmem:s2+$0xFFFF7FF0];
	v13 =	vmax.f32 v13, $1.000000000e+00;
	(erf) = vrcp.f32 v10;
	[tilespmem:s25+$0xFFFF7FE0] =	vst v15;
	v10 =	vmul.f32 v18, v5  }
0x154: {  	v11 =	vmul.f32 v12, v18;
	v5 =	vld [tilespmem:s2+$0xFFFF0000];
	(erf) = vrcp.f32 v13;
	[tilespmem:s25+$0xFFFEFFF0] =	vst v17;
	v7 =	vmov v14  }
0x155: {  	s2 =	sadd.s32 $0x40, s2  }
0x156: {  	v12 =	vld [tilespmem:s2+$0xFFFFFFE0]  }
0x157: {  	v13 =	vld [tilespmem:s2+$0xFFFEFFD0]  }
0x158: {  	v14 =	vld [tilespmem:s2+$0xFFFFFFF0];
	_ =	sdelay $0x1  }
0x159: {  	v15 =	vld [tilespmem:s2+$0x0]  }
0x15a: {  	v12 =	vmax.f32 v12, $1.000000000e+00  }
0x15b: {  	[tilespmem:s25+$0xFFFF7FF0] =	vst v9;
	v44 =	vpop (erf);
	(erf) = vrcp.f32 v12  }
0x15c: {  	[tilespmem:s25+$0xFFFF0000] =	vst v10;
	v45 =	vmul.f32 v44, v13;
	v46 =	vmax.f32 v14, $1.000000000e+00  }
0x15d: {  	[tilespmem:s25+$0xFFFF8000] =	vst v11;
	v6 =	vmul.f32 v8, v6;
	v47 =	vpop (erf);
	(erf) = vrcp.f32 v46  }
0x15e: {  	v48 =	vld [tilespmem:s28+$0xFFFF8000];
	v49 =	vmax.f32 v15, $1.000000000e+00;
	v7 =	vmul.f32 v47, v7;
	[tilespmem:s2+$0xFFFEFFD0] =	vst v45  }
0x15f: {  	[tilespmem:s0+$0x8000] =	vst v6;
	v2 =	vmul.f32 v2, v47;
	v50 =	vpop (erf);
	v51 =	vld [tilespmem:s26+$0x8000];
	(erf) = vrcp.f32 v49  }
0x160: {  	v52 =	vld [tilespmem:s2+$0xFFFEFFE0];
	v3 =	vmul.f32 v50, v3;
	[tilespmem:s28+$0xFFFEFFE0] =	vst v7  }
0x161: {  	v53 =	vld [tilespmem:s2+$0xFFFF7FE0];
	v54 =	vpop (erf);
	v4 =	vmul.f32 v4, v50;
	[tilespmem:s28+$0xFFFF7FE0] =	vst v2  }
0x162: {  	v2 =	vld [tilespmem:s2+$0xFFFEFFF0];
	v5 =	vmul.f32 v54, v5;
	[tilespmem:s28+$0xFFFEFFF0] =	vst v3  }
0x163: {  	v55 =	vmul.f32 v48, v54;
	v3 =	vld [tilespmem:s2+$0xFFFF7FF0];
	[tilespmem:s28+$0xFFFF7FF0] =	vst v4  }
0x164: {  	v56 =	vld [tilespmem:s2+$0xFFFF0000];
	[tilespmem:s28+$0xFFFF0000] =	vst v5;
	v57 =	vmul.f32 v51, v44;
	v58 =	vpop (erf)  }
0x165: {  	v59 =	vld [tilespmem:s2+$0xFFFF8000];
	[tilespmem:s28+$0xFFFF8000] =	vst v55;
	v60 =	vmul.f32 v58, v52  }
0x166: {  	[tilespmem:s26+$0x8000] =	vst v57;
	v61 =	vmul.f32 v53, v58;
	v62 =	vpop (erf)  }
0x167: {  	v2 =	vmul.f32 v62, v2;
	[tilespmem:s2+$0xFFFEFFE0] =	vst v60  }
0x168: {  	v63 =	vpop (erf);
	v3 =	vmul.f32 v3, v62;
	[tilespmem:s2+$0xFFFF7FE0] =	vst v61  }
0x169: {  	v4 =	vmul.f32 v63, v56;
	[tilespmem:s2+$0xFFFEFFF0] =	vst v2  }
0x16a: {  	s26 =	sshll.u32 s24, $0x6;
	v2 =	vmul.f32 v59, v63;
	s3 =	rddreg [dreg:$0x4];
	[tilespmem:s2+$0xFFFF7FF0] =	vst v3  }
0x16b: {  	[tilespmem:s2+$0xFFFF0000] =	vst v4;
	s3 =	sor.u32 s3, s26  }
0x16c: {  	s5 =	rddreg [dreg:$0x2];
	[tilespmem:s2+$0xFFFF8000] =	vst v2;
	s3 =	sshll.u32 s3, $0xC  }
0x16d: {  	s30 =	simm.s32 $0x3;
	s29 =	rddreg [dreg:$0x5];
	s3 =	sand.u32 $0x1FFFE000, s3  }
0x16e: {  	s31 =	simm.s32 $0x8000;
	s0 =	sor.u32 s29, s26;
	s28 =	sadd.s32 s5, s3  }
0x16f: {  	[hbm4b:s28+s4] =	stream.linear.scatter [tilespmem:s4], [sflag:$0x3], $0x8000, $0x38;
	[tilespmem:$0x1C800] =	vst v63  }
0x170: {  	s24 =	sadd.s32 $0x1, s24;
	s0 =	sshll.u32 s0, $0xC;
	_ =	swait.ge [sflag:s30], $0x8000  }
0x171: {  	p0 =	sne.s32 s24, $0x8;
	s0 =	sand.u32 $0x1FFFF000, s0;
	[sflag:s30] =	ssyncset.done $0x0  }
.Ltmp8:
0x172: {  	s0 =	sadd.s32 s5, s0;
	[sflag:s30] =	ssyncadd.s32 $0xFFFF8000;
	(pc) =	sbr.rel @p0 .LBB2_2-.Ltmp8, $4  }
0x173: {  	[hbm4b:s0+s4] =	stream.linear.scatter [tilespmem:s31], [sflag:$0x3], $0x8000, $0x38;
	[tilespmem:$0x1C800] =	vst v63  }
0x174: {  	_ =	swait.ge [sflag:s30], $0x8000  }
0x175: {  	[sflag:s30] =	ssyncset.done $0x0  }
0x176: {  	[sflag:s30] =	ssyncadd.s32 $0xFFFF8000  }
0x177: {  	s2 =	rddreg [dreg:$0x9]  }
0x178: {  	s0 =	rddreg [dreg:$0x8];
	s2 =	sadd.s32 $0x1, s2  }
0x179: {  	p0 =	sne.s32 s2, s0  }
.Ltmp9:
0x17a: {  	_ = 	snop;
	(pc) =	sbr.rel @p0 .LBB2_1-.Ltmp9, $1  }
0x17b: {  	_ =	sdelay $0x3  }
0x17c: {  	_ =	sfence.sel $0x180000  }
0x17d: {  	[bflag:$0x0] =	sbarrier.arrive $0xFFFF  }
0x17e: {  	_ =	strace $0x90000047  }
0x17f: {  	s0 =	stileid.u32;
	[bflag:$0x2] =	sbarrier.arrive $0xFFFF  }
0x180: {  	p0 =	sne.s32 s0, $0x0;
	s0 =	rddreg [dreg:$0x3]  }
0x181: {  	s0 =	sadd.s32 @!p0 $0x100000, s0  }
0x182: {  	[sflag:s0] =	ssyncadd.tile.s32 @!p0 $0x1;
	_ =	shalt  }
.Lfunc_end2:
_tile_overlayer_lowered:
.L_overlay_start_2:
0x183: {  	(tag) =	ssettag $0x2  }
0x184: {  	s0 =	rddreg [dreg:$0x0];
	s2 =	stileid.u32  }
0x185: {  	s1 =	rddreg [dreg:$0x1];
	p0 =	sne.s32 s2, $0x0  }
0x186: {  	s3 =	rddreg [dreg:$0x2];
	[bflag:$0x3] =	sbarrier.arrive $0xFFFF;
	s2 =	simm.s32 @!p0 $0x1C03  }
0x187: {  	[timem:s3], [sflag:s2] =	dma.local @!p0 [hbm:s0], s1  }
0x188: {  	s0 =	simm.s32 @!p0 $0x3  }
0x189: {  	_ =	swait.ge @!p0 [sflag:s0], s1  }
0x18a: {  	s1 =	ssub.s32 @!p0 $0x0, s1;
	[sflag:s0] =	ssyncset.done @!p0 $0x0  }
0x18b: {  	[sflag:s0] =	ssyncadd.s32 @!p0 s1  }
0x18c: {  	[bflag:$0x3] =	sbarrier.arrive $0xFFFF  }
0x18d: {  	_ =	shalt  }

// kernel: sparse-core-data-format-call.cloned.1.call-start
scs
called_computation_lowered:
.L_overlay_start_0:
0x0: {  	s2 =	sld [smem:$0x3FD9]  }
0x1: {  	s3 =	sld [smem:$0x3FFE];
	_ =	sdelay $0x1  }
0x2: {  	s1 =	srdreg.scid  }
0x3: {  	s0 =	sand.u32 $0x1, s1  }
0x4: {  	s15 =	sshll.u32 s0, $0xA;
	s2 =	sadd.s32 s3, s2  }
0x5: {  	s2 =	sadd.s32 s2, s15  }
0x6: {  	[smem:$0x3FC6] =	sst s2  }
0x7: {  	_ = 	snop  }
0x8: {  	s2 =	sld [smem:$0x3FD0];
	_ =	sdelay $0x2  }
0x9: {  	s16 =	simm.s32 $0xA;
	s4 =	simm.s32 $0x10  }
0xa: {  	[smem:s4], [sflag:s16] =	dma.local [hbm:s2], $0x1  }
0xb: {  	_ =	swait.eq [sflag:s16], $0x1  }
0xc: {  	[sflag:s16] =	ssyncset.done $0x0  }
0xd: {  	[sflag:s16] =	ssyncadd.s32 $0xFFFFFFFF  }
0xe: {  	s17 =	sld [smem:$0x10];
	(tm) =	ssettm $0x1  }
0xf: {  	s18 =	sld [smem:$0x3FFB];
	_ =	sdelay $0x3  }
0x10: {  	_ =	strace s18  }
0x11: {  	s3 =	sld [smem:$0x3FFC];
	_ =	sdelay $0x3  }
0x12: {  	_ =	strace s3  }
0x13: {  	s3 =	sld [smem:$0x3FFD];
	_ =	sdelay $0x3  }
0x14: {  	_ =	strace s3  }
0x15: {  	_ =	strace $0x8FFFFFFF  }
0x16: {  	s19 =	sld [smem:$0x3FDB];
	_ =	sdelay $0x1  }
0x17: {  	s20 =	simm.s32 $_scs_section_size  }
0x18: {  	s5 =	simm.s32 $_size__tile_overlayer_lowered;
	s6 =	simm.s32 $_tile_overlayer_lowered  }
0x19: {  	s23 =	simm.s32 $0x1BFF;
	s22 =	sshll.u32 s6, $0x1;
	s3 =	sadd.s32 s20, s19  }
0x1a: {  	s7 =	simm.s32 $0x0;
	s21 =	sshll.u32 s5, $0x1;
	s5 =	sadd.s32 s22, s3  }
0x1b: {  	[timem:s7], [sflag:s23] =	dma.local [hbm:s5], s21  }
0x1c: {  	_ =	swait.ge [sflag:s23], s21  }
0x1d: {  	s4 =	ssub.s32 $0x0, s21;
	[sflag:s23] =	ssyncset.done $0x0  }
0x1e: {  	[sflag:s23] =	ssyncadd.s32 s4;
	_ =	sdelay $0x1  }
0x1f: {  	s24 =	simm.s32 $0x1B8B  }
0x20: {  	_ =	swait.ge [sflag:s24], $0x1  }
0x21: {  	[sflag:s24] =	ssyncset.done $0x0  }
0x22: {  	s26 =	simm.s32 $0x1B8E;
	s25 =	sld [smem:$0x3FFE];
	[sflag:s24] =	ssyncadd.s32 $0xFFFFFFFF  }
0x23: {  	s27 =	simm.s32 $execute0_lowered;
	[smem:$0x3FD2] =	sst s26  }
0x24: {  	s5 =	sshll.u32 s27, $0x1;
	_ =	strace $0x80000049;
	[dreg:$0x1] =	wrdreg $0xFFFFFFFF  }
0x25: {  	s28 =	simm.s32 $_size_execute0_lowered;
	s3 =	sadd.s32 s3, s5;
	[dreg:$0x0] =	wrdreg $0x0  }
0x26: {  	s5 =	sshll.u32 s28, $0x1;
	[dreg:$0x2] =	wrdreg s3  }
0x27: {  	[dreg:$0x3] =	wrdreg s5  }
0x28: {  	[dreg:$0x4] =	wrdreg $0xC0  }
0x29: {  	_ =	task [dreg:s7], $0x5FFFF  }
0x2a: {  	[dreg:$0x1] =	wrdreg $0xFFFFFFFF  }
0x2b: {  	[dreg:$0x0] =	wrdreg $0x60  }
0x2c: {  	[dreg:$0x2] =	wrdreg s25  }
0x2d: {  	[dreg:$0x3] =	wrdreg s17  }
0x2e: {  	[dreg:$0x4] =	wrdreg $0x9  }
0x2f: {  	_ =	task.clear_ibuf [dreg:s7], $0x5FFFF;
	_ =	strace $0x90000049  }
0x30: {  	s29 =	simm.s32 $0x9;
	_ =	strace $0x8000004B  }
0x31: {  	_ =	swait.ge [sflag:s29], $0x1  }
0x32: {  	[sflag:s29] =	ssyncadd.s32 $0xFFFFFFFF  }
0x33: {  	_ =	strace $0x9000004B  }
0x34: {  	_ =	sfence  }
0x35: {  	s30 =	sld [smem:$0x0];
	_ =	sdelay $0x2  }
0x36: {  	s31 =	sshll.u32 s1, $0xD;
	s1 =	sshrl.u32 s1, $0x2  }
0x37: {  	s3 =	sand.u32 $0x4000, s31;
	s1 =	sadd.s32 s1, s30  }
0x38: {  	s0 =	sor.u32 s3, s0;
	s1 =	sshll.u32 s1, $0x11  }
0x39: {  	s0 =	sor.u32 s1, s0  }
0x3a: {  	s0 =	sadd.s32 $0x8F2B, s0  }
0x3b: {  	[sflag:s0] =	ssyncadd.remote.s32 $0x1  }
0x3c: {  	_ =	sfence.sel $0xFFFF  }
0x3d: {  	[dreg:$0x0] =	wrdreg $0xFFFFFFFF;
	(pc) =	sbr.abs _section_cstart, $3  }
0x3e: {  	[dreg:$0x1] =	wrdreg $0xFFFFFFFF  }
0x3f: {  	_ =	task.clear_ibuf [dreg:s7], $0x2FFFF;
	_ =	strace $0x9FFFFFFF  }
0x40: {  	(tm) =	ssettm $0x7FFFFFFF  }
0x41: {  	_ =	shalt  }
tec
execute0_lowered:
.L_overlay_start_1:
0x0: {  	(tag) =	ssettag $0x1  }
0x1: {  	s2 =	rddreg [dreg:$0x0]  }
0x2: {  	s3 =	rddreg [dreg:$0x1]  }
0x3: {  	s0 =	rddreg [dreg:$0x2];
	s1 =	srdreg.scid;
	_ =	strace $0x8000004A  }
0x4: {  	s6 =	simm.s32 $0x2;
	s19 =	simm.s32 $0x0;
	p0 =	por $0x0, $0x0  }
0x5: {  	s13 =	simm.s32 $0x80;
	s22 =	simm.s32 $0x0;
	s21 =	simm.s32 $0x0  }
0x6: {  	s23 =	simm.s32 $0x0;
	s15 =	simm.s32 $0x0;
	s17 =	simm.s32 $0x0  }
0x7: {  	s18 =	simm.s32 $0x0;
	s14 =	simm.s32 $0x0;
	s4 =	sshll.u32 s1, $0x4  }
.Ltmp0:
0x8: {  	s1 =	stileid.u32;
	s7 =	sadd.s32 $0x100000, s3;
	(pc) =	sbr.rel .LBB1_1-.Ltmp0, $4  }
0x9: {  	s8 =	sadd.s32 $0x180000, s3;
	s9 =	sadd.s32 $0x200000, s3;
	s10 =	sadd.s32 $0x280000, s3  }
0xa: {  	s11 =	sadd.s32 $0x300000, s3;
	s5 =	sand.u32 $0x10, s4;
	s4 =	simm.s32 $0x1  }
0xb: {  	s12 =	sadd.s32 $0x380000, s3;
	s5 =	sor.u32 s1, s5;
	[sflag:s4] =	ssyncpa.u1 $0x0  }
0xc: {  	[sflag:s6] =	ssyncpa.u1 $0x0;
	s6 =	sadd.s32 $0x80000, s3;
	s16 =	smov.u32 s5  }
.LBB1_7:
0xd: {  	s20 =	sadd.s32 $0x1, s15  }
0xe: {  	s19 =	sadd.s32 $0x20, s16;
	s24 =	smov.u32 s16;
	p2 =	sgt.s32 s20, $0x1F  }
0xf: {  	s24 =	smov.u32 @p2 s19  }
0x10: {  	s25 =	smov.u32 s17;
	s19 =	sadd.s32 $0x40, s17;
	p3 =	sgt.s32 s24, $0x1F  }
0x11: {  	s25 =	smov.u32 @p3 s19  }
0x12: {  	s26 =	smov.u32 s18;
	s19 =	sadd.s32 $0x8, s18;
	p4 =	sgt.s32 s25, $0x3F  }
0x13: {  	p1 =	slt.u32 s14, $0x2;
	s26 =	smov.u32 @p4 s19  }
0x14: {  	s14 =	sadd.s32 $0x1, s14;
	s20 =	simm.s32 @p2 $0x0;
	p2 =	sgt.s32 s26, $0x7  }
0x15: {  	s27 =	simm.s32 @!p1 $0x2;
	s26 =	simm.s32 @p2 $0x0;
	p2 =	sne.s32 s14, $0x22  }
.Ltmp1:
0x16: {  	s22 =	smov.u32 s16;
	_ =	swait.ge @!p1 [sflag:s27], $0x4000;
	(pc) =	sbr.rel @!p2 .LBB1_8-.Ltmp1, $4  }
0x17: {  	s21 =	smov.u32 s17;
	s23 =	smov.u32 s18;
	[sflag:s27] =	ssyncset.done @!p1 $0x0  }
0x18: {  	p0 =	por !p0, !p0;
	s24 =	smov.u32 @p3 s5;
	[sflag:s27] =	ssyncadd.s32 @!p1 $0xFFFFC000  }
0x19: {  	s16 =	smov.u32 s24;
	s25 =	simm.s32 @p4 $0x0;
	s19 =	smov.u32 s15  }
0x1a: {  	s15 =	smov.u32 s20;
	s17 =	smov.u32 s25;
	s18 =	smov.u32 s26  }
.LBB1_1:
0x1b: {  	p1 =	sgt.u32 s14, $0x1F  }
0x1c: {  	s20 =	sxor.u32 @!p1 $0xFFFFFFFF, s14;
	s24 =	sshll.u32 @!p1 s18, $0x14  }
0x1d: {  	s25 =	sshll.u32 @!p1 s17, $0xE;
	s26 =	sshll.u32 @!p1 s16, $0x9;
	s24 =	sadd.s32 @!p1 s2, s24  }
0x1e: {  	s27 =	sshll.u32 @!p1 s15, $0x4;
	s20 =	sshll.u32 @!p1 s20, $0xE;
	s24 =	sadd.s32 @!p1 s25, s24  }
0x1f: {  	s20 =	sand.u32 @!p1 $0x4000, s20;
	s25 =	sand.u32 @!p1 $0x1F0, s27;
	s24 =	sadd.s32 @!p1 s26, s24  }
0x20: {  	s26 =	simm.s32 @!p1 $0x20000;
	s24 =	sadd.s32 @!p1 s25, s24;
	s25 =	simm.s32 @!p1 $0x20  }
0x21: {  	[tilespmem:s20], [sflag:$0x1] =	stream.strided.gather @!p1 [hbm4b:s24+s25], $0x4000, s26, s25, $0x38;
	[tilespmem:$0x10200] =	vst v63  }
0x22: {  	p1 =	seq.s32 s14, $0x0  }
0x23: {  	p2 =	seq.s32 @!p1 s14, $0x21  }
0x24: {  	p1 =	por p1, p2  }
.Ltmp2:
0x25: {  	_ = 	snop;
	(pc) =	sbr.rel @p1 .LBB1_7-.Ltmp2, $1  }
0x26: {  	_ =	sdelay $0x3  }
0x27: {  	s20 =	simm.s32 $0x1;
	s25 =	sand.u32 $0x1, s14  }
0x28: {  	_ =	swait.ge [sflag:s4], $0x4000;
	s20 =	simm.s32 @!p0 $0x0;
	s27 =	smul.u32 $0x10400, s25  }
0x29: {  	[sflag:s4] =	ssyncset.done $0x0;
	s24 =	smul.u32 $0x10400, s20  }
0x2a: {  	s20 =	sshll.u32 s20, $0xE;
	[sflag:s4] =	ssyncadd.s32 $0xFFFFC000  }
0x2b: {  	s26 =	sor.u32 $0x10, s20;
	s20 =	sshrl.u32 s27, $0x2;
	s24 =	sshrl.u32 s24, $0x2  }
0x2c: {  	s27 =	simm.s32 $0x0;
	s25 =	sor.u32 $0x8000, s24;
	s24 =	sor.u32 $0x8000, s20  }
.LBB1_3:
0x2d: {  	v1 =	vld [tilespmem:s26+$0x0]  }
0x2e: {  	v0 =	vld [tilespmem:s26+$0xFFFFFFF0];
	_ =	sdelay $0x2  }
0x2f: {  	s30 =	sadd.s32 $0x0, s25  }
0x30: {  	s28 =	simm.s32 $0x4;
	s29 =	sadd.s32 $0x20, s26;
	[tilespmem:s30+$0x410 ss:$0x41] =	vst.msk $0xffff, v1  }
.LBB1_4:
0x31: {  	v1 =	vld [tilespmem:s29+$0x0];
	p1 =	sne.s32 s28, $0xFC;
	[tilespmem:s30+$0x0 ss:$0x41] =	vst.msk $0xffff, v0;
	s30 =	smov.u32 s28;
	s28 =	sadd.s32 $0x4, s28  }
.Ltmp3:
0x32: {  	v0 =	vld [tilespmem:s29+$0xFFFFFFF0];
	(pc) =	sbr.rel @p1 .LBB1_4-.Ltmp3, $4  }
0x33: {  	_ = 	snop  }
0x34: {  	s30 =	sshra.s32 s30, $0x2  }
0x35: {  	s30 =	sadd.s32 s30, s25  }
0x36: {  	s29 =	sadd.s32 $0x20, s29;
	[tilespmem:s30+$0x410 ss:$0x41] =	vst.msk $0xffff, v1  }
0x37: {  	s27 =	sadd.s32 $0x1, s27  }
0x38: {  	p1 =	sne.s32 s27, $0x8  }
.Ltmp4:
0x39: {  	_ = 	snop;
	(pc) =	sbr.rel @p1 .LBB1_3-.Ltmp4, $2  }
0x3a: {  	_ =	sdelay $0x2  }
0x3b: {  	[tilespmem:s30+$0x0 ss:$0x41] =	vst.msk $0xffff, v0;
	s25 =	sadd.s32 $0x820, s25;
	s26 =	sadd.s32 $0x800, s26  }
0x3c: {  	s23 =	sshll.u32 s23, $0x13;
	s22 =	sshll.u32 s22, $0xE  }
0x3d: {  	s25 =	sadd.s32 s23, s22  }
0x3e: {  	s26 =	sand.u32 $0x180, s21;
	s27 =	sshrl.u32 s21, $0x3;
	s25 =	sadd.s32 s3, s25  }
0x3f: {  	s31 =	sand.u32 $0x7, s21;
	s27 =	sand.u32 $0xF, s27;
	s25 =	sadd.s32 s26, s25  }
0x40: {  	s19 =	sshll.u32 s19, $0x9;
	s21 =	sshll.u32 s31, $0x12;
	s25 =	sadd.s32 s27, s25  }
0x41: {  	s28 =	sadd.s32 s23, s6;
	s21 =	sor.u32 $0x40, s21;
	s25 =	sadd.s32 s19, s25  }
0x42: {  	[hbm4b:s25+s21] =	stream.strided.scatter [tilespmem:s24], [sflag:$0x2], $0x800, s13, s21, $0x18;
	[tilespmem:$0x10200] =	vst v63  }
0x43: {  	s24 =	sadd.s32 s26, s28  }
0x44: {  	s24 =	sadd.s32 s22, s24  }
0x45: {  	s24 =	sadd.s32 s27, s24  }
0x46: {  	s29 =	sadd.s32 $0x8820, s20;
	s30 =	sadd.s32 s23, s7;
	s24 =	sadd.s32 s19, s24  }
0x47: {  	[hbm4b:s24+s21] =	stream.strided.scatter [tilespmem:s29], [sflag:$0x2], $0x800, s13, s21, $0x18;
	[tilespmem:$0x10200] =	vst v63  }
0x48: {  	s24 =	sadd.s32 s26, s30  }
0x49: {  	s24 =	sadd.s32 s22, s24  }
0x4a: {  	s24 =	sadd.s32 s27, s24  }
0x4b: {  	s31 =	sadd.s32 $0x9040, s20;
	s28 =	sadd.s32 s23, s8;
	s24 =	sadd.s32 s19, s24  }
0x4c: {  	[hbm4b:s24+s21] =	stream.strided.scatter [tilespmem:s31], [sflag:$0x2], $0x800, s13, s21, $0x18;
	[tilespmem:$0x10200] =	vst v63  }
0x4d: {  	s24 =	sadd.s32 s26, s28  }
0x4e: {  	s24 =	sadd.s32 s22, s24  }
0x4f: {  	s24 =	sadd.s32 s27, s24  }
0x50: {  	s29 =	sadd.s32 $0x9860, s20;
	s30 =	sadd.s32 s23, s9;
	s24 =	sadd.s32 s19, s24  }
0x51: {  	[hbm4b:s24+s21] =	stream.strided.scatter [tilespmem:s29], [sflag:$0x2], $0x800, s13, s21, $0x18;
	[tilespmem:$0x10200] =	vst v63  }
0x52: {  	s24 =	sadd.s32 s26, s30  }
0x53: {  	s24 =	sadd.s32 s22, s24  }
0x54: {  	s24 =	sadd.s32 s27, s24  }
0x55: {  	s25 =	sadd.s32 s23, s10;
	s31 =	sadd.s32 $0xA080, s20;
	s24 =	sadd.s32 s19, s24  }
0x56: {  	[hbm4b:s24+s21] =	stream.strided.scatter [tilespmem:s31], [sflag:$0x2], $0x800, s13, s21, $0x18;
	[tilespmem:$0x10200] =	vst v63  }
0x57: {  	s24 =	sadd.s32 s26, s25  }
0x58: {  	s24 =	sadd.s32 s22, s24  }
0x59: {  	s24 =	sadd.s32 s27, s24  }
0x5a: {  	s28 =	sadd.s32 $0xA8A0, s20;
	s29 =	sadd.s32 s23, s11;
	s24 =	sadd.s32 s19, s24  }
0x5b: {  	[hbm4b:s24+s21] =	stream.strided.scatter [tilespmem:s28], [sflag:$0x2], $0x800, s13, s21, $0x18;
	[tilespmem:$0x10200] =	vst v63  }
0x5c: {  	s23 =	sadd.s32 s23, s12;
	s24 =	sadd.s32 s26, s29  }
0x5d: {  	s23 =	sadd.s32 s26, s23;
	s24 =	sadd.s32 s22, s24  }
.Ltmp5:
0x5e: {  	s22 =	sadd.s32 s22, s23;
	s24 =	sadd.s32 s27, s24;
	(pc) =	sbr.rel .LBB1_7-.Ltmp5, $4  }
0x5f: {  	s30 =	sadd.s32 $0xB0C0, s20;
	s22 =	sadd.s32 s27, s22;
	s24 =	sadd.s32 s19, s24  }
0x60: {  	[hbm4b:s24+s21] =	stream.strided.scatter [tilespmem:s30], [sflag:$0x2], $0x800, s13, s21, $0x18;
	[tilespmem:$0x10200] =	vst v63  }
0x61: {  	s31 =	sadd.s32 $0xB8E0, s20;
	s19 =	sadd.s32 s19, s22  }
0x62: {  	[hbm4b:s19+s21] =	stream.strided.scatter [tilespmem:s31], [sflag:$0x2], $0x800, s13, s21, $0x18;
	[tilespmem:$0x10200] =	vst v63  }
.LBB1_8:
0x63: {  	_ =	sfence.sel $0x180000  }
0x64: {  	s2 =	simm.s32 $0x1;
	[bflag:$0x0] =	sbarrier.arrive $0xFFFF  }
0x65: {  	s31 =	simm.s32 $0x2;
	[sflag:s2] =	ssyncpa.u1 $0x1  }
0x66: {  	[sflag:s31] =	ssyncpa.u1 $0x1  }
0x67: {  	p0 =	sne.s32 s1, $0x0;
	_ =	strace $0x9000004A  }
0x68: {  	s0 =	sadd.s32 @!p0 $0x100000, s0;
	[bflag:$0x2] =	sbarrier.arrive $0xFFFF  }
0x69: {  	[sflag:s0] =	ssyncadd.tile.s32 @!p0 $0x1;
	_ =	shalt  }
.Lfunc_end1:
_tile_overlayer_lowered:
.L_overlay_start_2:
0x6a: {  	(tag) =	ssettag $0x2  }
0x6b: {  	s0 =	rddreg [dreg:$0x0];
	s2 =	stileid.u32  }
0x6c: {  	s1 =	rddreg [dreg:$0x1];
	p0 =	sne.s32 s2, $0x0  }
0x6d: {  	s3 =	rddreg [dreg:$0x2];
	[bflag:$0x3] =	sbarrier.arrive $0xFFFF;
	s2 =	simm.s32 @!p0 $0x1C01  }
0x6e: {  	[timem:s3], [sflag:s2] =	dma.local @!p0 [hbm:s0], s1  }
0x6f: {  	s0 =	simm.s32 @!p0 $0x1  }
0x70: {  	_ =	swait.ge @!p0 [sflag:s0], s1  }
0x71: {  	s1 =	ssub.s32 @!p0 $0x0, s1;
	[sflag:s0] =	ssyncset.done @!p0 $0x0  }
0x72: {  	[sflag:s0] =	ssyncadd.s32 @!p0 s1  }
0x73: {  	[bflag:$0x3] =	sbarrier.arrive $0xFFFF  }
0x74: {  	_ =	shalt  }

</sc_bundles>
